<compile_context>
chip_gen: v7x
topology: tpu7x:2x2x1
jax: 0.10.2.dev20260603
libtpu: 0.0.44.dev20260713+nightly
codegen_flags: <defaults>
</compile_context>

<pallas_src>
import jax
import jax.numpy as jnp
from jax import lax
from jax.experimental import pallas as pl
from jax.experimental.pallas import tpu as pltpu
from jax.experimental.pallas import tpu_sc as plsc

N_NODES = 10000
N_EDGES = 320000
D = 128
NC = 2
NS = 16
NW = NC * NS
CHUNK = 128
E_PER_W = 10000
PAD_PER_W = 240
N_CHUNKS = (E_PER_W + PAD_PER_W) // CHUNK
N_PAD = 10240
ROWS_PER_TILE = N_PAD // NS
SLABS = ROWS_PER_TILE // CHUNK
LANES = 16
HGRP = CHUNK // LANES


FULL_CHUNKS = E_PER_W // CHUNK
TAIL = 2 * CHUNK


def _sc_body(src_hbm, dst_hbm, tsrc_hbm, tdst_hbm, feat_hbm, zeros_hbm,
             zeros1d_hbm,
             agg_out, hist_out,
             src_v0, dst_v0, src_v1, dst_v1,
             src_v2, dst_v2, src_v3, dst_v3,
             rows_v0, rows_v1,
             hist_v, shared_agg,
             sem_g0, sem_g1, sem_i0, sem_i1, sem_i2, sem_i3, sem_s):
    c = lax.axis_index("c")
    s = lax.axis_index("s")
    w = c * NS + s
    e_base = w * E_PER_W
    t_base = w * TAIL
    ones16 = jnp.full((LANES,), 1.0, jnp.float32)

    pltpu.sync_copy(zeros1d_hbm, hist_v)
    pltpu.sync_copy(zeros_hbm, rows_v0)

    def zero_slab(k, _):
        r0 = s * ROWS_PER_TILE + k * CHUNK
        pltpu.sync_copy(rows_v0, shared_agg.at[pl.ds(r0, CHUNK)])
        return 0

    lax.fori_loop(0, SLABS, zero_slab, 0)
    plsc.subcore_barrier()

    ibufs = ((src_v0, dst_v0, sem_i0), (src_v1, dst_v1, sem_i1),
             (src_v2, dst_v2, sem_i2), (src_v3, dst_v3, sem_i3))
    rbufs = ((rows_v0, sem_g0), (rows_v1, sem_g1))

    def idx_start(k, q):
        sv, dv, si = ibufs[q]
        k = jnp.int32(k)
        e0 = e_base + k * CHUNK
        e0t = t_base + (k - FULL_CHUNKS) * CHUNK

        @pl.when(k < FULL_CHUNKS)
        def _():
            pltpu.async_copy(src_hbm.at[pl.ds(e0, CHUNK)], sv, si)
            pltpu.async_copy(dst_hbm.at[pl.ds(e0, CHUNK)], dv, si)

        @pl.when(k >= FULL_CHUNKS)
        def _():
            pltpu.async_copy(tsrc_hbm.at[pl.ds(e0t, CHUNK)], sv, si)
            pltpu.async_copy(tdst_hbm.at[pl.ds(e0t, CHUNK)], dv, si)

    def idx_wait(k, q):
        sv, dv, si = ibufs[q]
        k = jnp.int32(k)
        e0 = e_base + k * CHUNK
        e0t = t_base + (k - FULL_CHUNKS) * CHUNK

        @pl.when(k < FULL_CHUNKS)
        def _():
            pltpu.make_async_copy(src_hbm.at[pl.ds(e0, CHUNK)], sv, si).wait()
            pltpu.make_async_copy(dst_hbm.at[pl.ds(e0, CHUNK)], dv, si).wait()

        @pl.when(k >= FULL_CHUNKS)
        def _():
            pltpu.make_async_copy(tsrc_hbm.at[pl.ds(e0t, CHUNK)], sv, si).wait()
            pltpu.make_async_copy(tdst_hbm.at[pl.ds(e0t, CHUNK)], dv, si).wait()

    for q in (0, 1, 2):
        idx_start(q, q)
    for b in (0, 1):
        idx_wait(b, b)
        rv, sg = rbufs[b]
        pltpu.async_copy(feat_hbm.at[ibufs[b][0]], rv, sg)

    def agg_quad(j4, _):
        for r in range(4):
            sv, dv, _ = ibufs[r]
            rv, sg = rbufs[r % 2]
            pltpu.make_async_copy(feat_hbm.at[sv], rv, sg).wait()
            pltpu.async_copy(rv, shared_agg.at[dv], sem_s, add=True)
            j = 4 * j4 + r

            @pl.when(j < N_CHUNKS - 3)
            def _():
                idx_start(j + 3, (r + 3) % 4)

            for t in range(HGRP):
                iv = dv[pl.ds(t * LANES, LANES)]
                plsc.addupdate_scatter(hist_v, [iv], ones16)

            pltpu.make_async_copy(rv, shared_agg.at[dv], sem_s).wait()

            @pl.when(j < N_CHUNKS - 2)
            def _():
                idx_wait(j + 2, (r + 2) % 4)
                rv2, sg2 = rbufs[r % 2]
                pltpu.async_copy(feat_hbm.at[ibufs[(r + 2) % 4][0]], rv2, sg2)
        return 0

    lax.fori_loop(0, N_CHUNKS // 4, agg_quad, 0)
    plsc.subcore_barrier()

    def agg_out_slab(k, _):
        r0 = s * ROWS_PER_TILE + k * CHUNK
        pltpu.sync_copy(shared_agg.at[pl.ds(r0, CHUNK)], rows_v0)
        pltpu.sync_copy(rows_v0, agg_out.at[pl.ds(c * N_PAD + r0, CHUNK)])
        return 0

    lax.fori_loop(0, SLABS, agg_out_slab, 0)
    pltpu.sync_copy(hist_v, hist_out.at[pl.ds(w * N_PAD, N_PAD)])


def _sc_aggregate(src1d, dst1d, tsrc, tdst, features, zeros, zeros1d):
    mesh = plsc.VectorSubcoreMesh(core_axis_name="c", subcore_axis_name="s")
    return pl.kernel(
        _sc_body,
        out_type=[
            jax.ShapeDtypeStruct((NC * N_PAD, D), jnp.float32),
            jax.ShapeDtypeStruct((NW * N_PAD,), jnp.float32),
        ],
        mesh=mesh,
        compiler_params=pltpu.CompilerParams(needs_layout_passes=False),
        scratch_types=(
            [pltpu.VMEM((CHUNK,), jnp.int32)] * 8
            + [
                pltpu.VMEM((CHUNK, D), jnp.float32),
                pltpu.VMEM((CHUNK, D), jnp.float32),
                pltpu.VMEM((N_PAD,), jnp.float32),
                pltpu.VMEM_SHARED((N_PAD, D), jnp.float32),
            ]
            + [pltpu.SemaphoreType.DMA] * 7
        ),
    )(src1d, dst1d, tsrc, tdst, features, zeros, zeros1d)


def _tc_body(agg_ref, hist_ref, w0_ref, w1_ref, out_ref):
    a = agg_ref[0] + agg_ref[1]
    deg = jnp.sum(hist_ref[...], axis=0)
    inv = 1.0 / jnp.maximum(deg, 1.0)
    a = a * inv[:, None]
    h0 = jax.nn.relu(jnp.dot(a, w0_ref[...], preferred_element_type=jnp.float32))
    h1 = jax.nn.relu(jnp.dot(a, w1_ref[...], preferred_element_type=jnp.float32))
    out_ref[...] = 0.5 * (h0 + h1)


def _tc_combine(agg_part, hist_part, W0, W1):
    blk = 1024
    grid = (N_PAD // blk,)
    return pl.pallas_call(
        _tc_body,
        grid=grid,
        in_specs=[
            pl.BlockSpec((NC, blk, D), lambda i: (0, i, 0)),
            pl.BlockSpec((NW, blk), lambda i: (0, i)),
            pl.BlockSpec((D, D), lambda i: (0, 0)),
            pl.BlockSpec((D, D), lambda i: (0, 0)),
        ],
        out_specs=pl.BlockSpec((blk, D), lambda i: (i, 0)),
        out_shape=jax.ShapeDtypeStruct((N_NODES, D), jnp.float32),
    )(agg_part, hist_part, W0, W1)


def _tail_edges(idx, pad_vals):
    per_w = idx.reshape(NW, E_PER_W)
    tail_real = per_w[:, FULL_CHUNKS * CHUNK:]
    return jnp.concatenate([tail_real, pad_vals], axis=1).reshape(-1)


@jax.jit
def kernel(node, graph, features, W0, W1):
    src = graph[0].astype(jnp.int32)
    dst = graph[1].astype(jnp.int32)
    lane = jnp.arange(PAD_PER_W, dtype=jnp.int32)[None, :]
    wid = jnp.arange(NW, dtype=jnp.int32)[:, None]
    src_pad = jnp.broadcast_to((wid * PAD_PER_W + lane) % N_NODES, (NW, PAD_PER_W))
    dst_pad = jnp.broadcast_to(N_NODES + lane, (NW, PAD_PER_W))
    tsrc = _tail_edges(src, src_pad)
    tdst = _tail_edges(dst, dst_pad)
    zeros = jnp.zeros((CHUNK, D), jnp.float32)
    zeros1d = jnp.zeros((N_PAD,), jnp.float32)
    agg_part, hist_flat = _sc_aggregate(src, dst, tsrc, tdst, features,
                                        zeros, zeros1d)
    agg_part = agg_part.reshape(NC, N_PAD, D)
    hist_part = hist_flat.reshape(NW, N_PAD)
    return _tc_combine(agg_part, hist_part, W0, W1)

# --- scband reference (transcript-rebuilt; emitter-appended) ---
"""Pipeline reference for scband-multi-head-layer-88931592831693 (READ-ONLY COPY).

The authoritative reference and input builder live on the scoring server;
editing this copy changes nothing except your own understanding.
"""

import jax, jax.numpy as jnp
import numpy as np

N_NODES = 10000
N_EDGES = 320000
D_FEAT = 128
HEADS = 2

def setup_inputs(seed: int = 0) -> dict:
    key = jax.random.key(seed)
    k1, k2, k3, k4 = jax.random.split(key, 4)
    features = jax.random.normal(k1, (N_NODES, D_FEAT), dtype=jnp.float32)
    graph = jax.random.randint(k2, (2, N_EDGES), 0, N_NODES, dtype=jnp.int64)
    node = jnp.arange(N_NODES, dtype=jnp.int64)
    W0 = jax.random.normal(k3, (D_FEAT, D_FEAT), dtype=jnp.float32) * (1.0 / np.sqrt(D_FEAT))
    W1 = jax.random.normal(k4, (D_FEAT, D_FEAT), dtype=jnp.float32) * (1.0 / np.sqrt(D_FEAT))
    return {"node": node, "graph": graph, "features": features, "W0": W0, "W1": W1}

def _head(node, graph, features, W):
    # Aggregator: mean of incoming-neighbor features per node (gather + scatter-add)
    src = graph[0]
    dst = graph[1]
    msgs = jnp.take(features, src, axis=0)
    agg = jax.ops.segment_sum(msgs, dst, num_segments=features.shape[0])
    deg = jax.ops.segment_sum(jnp.ones((src.shape[0], 1), dtype=features.dtype), dst, num_segments=features.shape[0])
    agg = agg / jnp.maximum(deg, 1.0)
    a_next = jnp.take(agg, node, axis=0)
    # Mean layer: linear projection + ReLU
    return jax.nn.relu(a_next @ W)

def reference(node, graph, features, W0, W1):
    # dropout=0.0 (default) -> identity
    result = None
    for W in (W0, W1):
        res = _head(node, graph, features, W)
        result = res if result is None else result + res
    return result / float(HEADS)

if __name__ == "__main__":
    import jax
    _d = setup_inputs()
    print(jax.jit(kernel)(*tuple(_d.values())))

</pallas_src>

<mosaic_0001>
#map = affine_map<(d0, d1) -> (0)>
#map1 = affine_map<(d0, d1) -> (0, 0)>
module attributes {stable_mosaic.version = 14 : i64} {
  func.func @_sc_body(%arg0: i32, %arg1: i32, %arg2: memref<320000xi32, #tpu.memory_space<hbm>>, %arg3: memref<320000xi32, #tpu.memory_space<hbm>>, %arg4: memref<8192xi32, #tpu.memory_space<hbm>>, %arg5: memref<8192xi32, #tpu.memory_space<hbm>>, %arg6: memref<10000x128xf32, #tpu.memory_space<hbm>>, %arg7: memref<128x128xf32, #tpu.memory_space<hbm>>, %arg8: memref<10240xf32, #tpu.memory_space<hbm>>, %arg9: memref<20480x128xf32, #tpu.memory_space<hbm>>, %arg10: memref<327680xf32, #tpu.memory_space<hbm>>, %arg11: memref<128xi32, #tpu.memory_space<vmem>>, %arg12: memref<128xi32, #tpu.memory_space<vmem>>, %arg13: memref<128xi32, #tpu.memory_space<vmem>>, %arg14: memref<128xi32, #tpu.memory_space<vmem>>, %arg15: memref<128xi32, #tpu.memory_space<vmem>>, %arg16: memref<128xi32, #tpu.memory_space<vmem>>, %arg17: memref<128xi32, #tpu.memory_space<vmem>>, %arg18: memref<128xi32, #tpu.memory_space<vmem>>, %arg19: memref<128x128xf32, #tpu.memory_space<vmem>>, %arg20: memref<128x128xf32, #tpu.memory_space<vmem>>, %arg21: memref<10240xf32, #tpu.memory_space<vmem>>, %arg22: memref<10240x128xf32, #tpu.memory_space<vmem_shared>>, %arg23: memref<!tpu.dma_semaphore, #tpu.memory_space<semaphore_mem>>, %arg24: memref<!tpu.dma_semaphore, #tpu.memory_space<semaphore_mem>>, %arg25: memref<!tpu.dma_semaphore, #tpu.memory_space<semaphore_mem>>, %arg26: memref<!tpu.dma_semaphore, #tpu.memory_space<semaphore_mem>>, %arg27: memref<!tpu.dma_semaphore, #tpu.memory_space<semaphore_mem>>, %arg28: memref<!tpu.dma_semaphore, #tpu.memory_space<semaphore_mem>>, %arg29: memref<!tpu.dma_semaphore, #tpu.memory_space<semaphore_mem>>) attributes {dimension_semantics = [#tpu.dimension_semantics<core_parallel>, #tpu.dimension_semantics<subcore_parallel>], iteration_bounds = array<i64: 2, 16>, scalar_prefetch = 0 : i64, scratch_operands = 19 : i64, tpu.core_type = #tpu.core_type<sc_vector_subcore>, window_params = [{transform_indices = #map}, {transform_indices = #map}, {transform_indices = #map}, {transform_indices = #map}, {transform_indices = #map1}, {transform_indices = #map1}, {transform_indices = #map}, {transform_indices = #map1}, {transform_indices = #map}]} {
    %mul3A = arith.constant 16 : i32
    %mul3A_0 = arith.muli %arg0, %mul3A : i32
    %add3A = arith.addi %mul3A_0, %arg1 : i32
    %mul3A_1 = arith.constant 10000 : i32
    %mul3A_2 = arith.muli %add3A, %mul3A_1 : i32
    %mul3A_3 = arith.constant 256 : i32
    %mul3A_4 = arith.muli %add3A, %mul3A_3 : i32
    %broadcast_in_dim3A = arith.constant 1.000000e+00 : f32
    %broadcast_in_dim3A_5 = vector.broadcast %broadcast_in_dim3A : f32 to vector<16xf32>
    "tpu.region"() ({
      %run_scoped3A = tpu.sem_alloc : memref<!tpu.dma_semaphore, #tpu.memory_space<semaphore_mem>>
      tpu.enqueue_dma source(%arg8 : memref<10240xf32, #tpu.memory_space<hbm>>) target(%arg21 : memref<10240xf32, #tpu.memory_space<vmem>>) target_semaphore(%run_scoped3A : memref<!tpu.dma_semaphore, #tpu.memory_space<semaphore_mem>>)
      tpu.wait_dma2 semaphore(%run_scoped3A : memref<!tpu.dma_semaphore, #tpu.memory_space<semaphore_mem>>) src(%arg8 : memref<10240xf32, #tpu.memory_space<hbm>>) dst(%arg21 : memref<10240xf32, #tpu.memory_space<vmem>>)
      tpu.yield
    }) : () -> ()
    "tpu.region"() ({
      %run_scoped3A = tpu.sem_alloc : memref<!tpu.dma_semaphore, #tpu.memory_space<semaphore_mem>>
      tpu.enqueue_dma source(%arg7 : memref<128x128xf32, #tpu.memory_space<hbm>>) target(%arg19 : memref<128x128xf32, #tpu.memory_space<vmem>>) target_semaphore(%run_scoped3A : memref<!tpu.dma_semaphore, #tpu.memory_space<semaphore_mem>>)
      tpu.wait_dma2 semaphore(%run_scoped3A : memref<!tpu.dma_semaphore, #tpu.memory_space<semaphore_mem>>) src(%arg7 : memref<128x128xf32, #tpu.memory_space<hbm>>) dst(%arg19 : memref<128x128xf32, #tpu.memory_space<vmem>>)
      tpu.yield
    }) : () -> ()
    %scan3A = arith.constant 0 : i32
    %scan3A_6 = arith.constant 0 : i32
    %scan3A_7 = arith.constant 5 : i32
    %scan3A_8 = arith.addi %scan3A_6, %scan3A_7 : i32
    %scan3A_9 = arith.constant 1 : i32
    %scan3A_10 = scf.for %scan3A_139 = %scan3A_6 to %scan3A_8 step %scan3A_9 iter_args(%scan3A_140 = %scan3A) -> (i32)  : i32 {
      %mul3A_141 = arith.constant 640 : i32
      %mul3A_142 = arith.muli %arg1, %mul3A_141 : i32
      %mul3A_143 = arith.constant 128 : i32
      %mul3A_144 = arith.muli %scan3A_139, %mul3A_143 : i32
      %add3A_145 = arith.addi %mul3A_142, %mul3A_144 : i32
      "tpu.region"() ({
        %run_scoped3A = tpu.sem_alloc : memref<!tpu.dma_semaphore, #tpu.memory_space<semaphore_mem>>
        %dma_start3A_147 = arith.constant 0 : i32
        %dma_start3A_148 = tpu.memref_slice %arg22[%add3A_145, %dma_start3A_147] : memref<10240x128xf32, #tpu.memory_space<vmem_shared>> -> memref<128x128xf32, #tpu.memory_space<vmem_shared>>
        %dma_start3A_149 = arith.constant 0 : i32
        %dma_start3A_150 = tpu.memref_slice %arg22[%add3A_145, %dma_start3A_149] : memref<10240x128xf32, #tpu.memory_space<vmem_shared>> -> memref<128x128xf32, #tpu.memory_space<vmem_shared>>
        tpu.enqueue_dma source(%arg19 : memref<128x128xf32, #tpu.memory_space<vmem>>) target(%dma_start3A_150 : memref<128x128xf32, #tpu.memory_space<vmem_shared>>) target_semaphore(%run_scoped3A : memref<!tpu.dma_semaphore, #tpu.memory_space<semaphore_mem>>)
        %dma_wait3A = arith.constant 0 : i32
        %dma_wait3A_151 = tpu.memref_slice %arg22[%add3A_145, %dma_wait3A] : memref<10240x128xf32, #tpu.memory_space<vmem_shared>> -> memref<128x128xf32, #tpu.memory_space<vmem_shared>>
        %dma_wait3A_152 = arith.constant 0 : i32
        %dma_wait3A_153 = tpu.memref_slice %arg22[%add3A_145, %dma_wait3A_152] : memref<10240x128xf32, #tpu.memory_space<vmem_shared>> -> memref<128x128xf32, #tpu.memory_space<vmem_shared>>
        tpu.wait_dma2 semaphore(%run_scoped3A : memref<!tpu.dma_semaphore, #tpu.memory_space<semaphore_mem>>) src(%arg19 : memref<128x128xf32, #tpu.memory_space<vmem>>) dst(%dma_wait3A_153 : memref<128x128xf32, #tpu.memory_space<vmem_shared>>)
        tpu.yield
      }) : () -> ()
      %scan3A_146 = arith.constant 0 : i32
      scf.yield %scan3A_146 : i32
    }
    %scan3A_11 = arith.constant 5 : i32
    %barrier3A = arith.constant 0 : index
    tpu.barrier barrier_id(%barrier3A)
    %mul3A_12 = arith.constant 0 : i32
    %mul3A_13 = arith.constant 128 : i32
    %mul3A_14 = arith.muli %mul3A_12, %mul3A_13 : i32
    %add3A_15 = arith.addi %mul3A_2, %mul3A_14 : i32
    %sub3A = arith.constant 0 : i32
    %sub3A_16 = arith.constant 78 : i32
    %sub3A_17 = arith.subi %sub3A, %sub3A_16 : i32
    %mul3A_18 = arith.constant 128 : i32
    %mul3A_19 = arith.muli %sub3A_17, %mul3A_18 : i32
    %add3A_20 = arith.addi %mul3A_4, %mul3A_19 : i32
    %lt3A = arith.constant 0 : i32
    %lt3A_21 = arith.constant 78 : i32
    %lt3A_22 = arith.cmpi slt, %lt3A, %lt3A_21 : i32
    %convert_element_type3A = arith.extui %lt3A_22 : i1 to i32
    %cond3A = arith.constant 0 : i32
    %cond3A_23 = arith.cmpi ne, %convert_element_type3A, %cond3A : i32
    scf.if %cond3A_23 {
      %dma_start3A_139 = tpu.memref_slice %arg2[%add3A_15] : memref<320000xi32, #tpu.memory_space<hbm>> -> memref<128xi32, #tpu.memory_space<hbm>>
      %dma_start3A_140 = tpu.memref_slice %arg2[%add3A_15] : memref<320000xi32, #tpu.memory_space<hbm>> -> memref<128xi32, #tpu.memory_space<hbm>>
      tpu.enqueue_dma source(%dma_start3A_140 : memref<128xi32, #tpu.memory_space<hbm>>) target(%arg11 : memref<128xi32, #tpu.memory_space<vmem>>) target_semaphore(%arg25 : memref<!tpu.dma_semaphore, #tpu.memory_space<semaphore_mem>>)
      %dma_start3A_141 = tpu.memref_slice %arg3[%add3A_15] : memref<320000xi32, #tpu.memory_space<hbm>> -> memref<128xi32, #tpu.memory_space<hbm>>
      %dma_start3A_142 = tpu.memref_slice %arg3[%add3A_15] : memref<320000xi32, #tpu.memory_space<hbm>> -> memref<128xi32, #tpu.memory_space<hbm>>
      tpu.enqueue_dma source(%dma_start3A_142 : memref<128xi32, #tpu.memory_space<hbm>>) target(%arg12 : memref<128xi32, #tpu.memory_space<vmem>>) target_semaphore(%arg25 : memref<!tpu.dma_semaphore, #tpu.memory_space<semaphore_mem>>)
    } else {
    }
    %ge3A = arith.constant 0 : i32
    %ge3A_24 = arith.constant 78 : i32
    %ge3A_25 = arith.cmpi sge, %ge3A, %ge3A_24 : i32
    %convert_element_type3A_26 = arith.extui %ge3A_25 : i1 to i32
    %cond3A_27 = arith.constant 0 : i32
    %cond3A_28 = arith.cmpi ne, %convert_element_type3A_26, %cond3A_27 : i32
    scf.if %cond3A_28 {
      %dma_start3A_139 = tpu.memref_slice %arg4[%add3A_20] : memref<8192xi32, #tpu.memory_space<hbm>> -> memref<128xi32, #tpu.memory_space<hbm>>
      %dma_start3A_140 = tpu.memref_slice %arg4[%add3A_20] : memref<8192xi32, #tpu.memory_space<hbm>> -> memref<128xi32, #tpu.memory_space<hbm>>
      tpu.enqueue_dma source(%dma_start3A_140 : memref<128xi32, #tpu.memory_space<hbm>>) target(%arg11 : memref<128xi32, #tpu.memory_space<vmem>>) target_semaphore(%arg25 : memref<!tpu.dma_semaphore, #tpu.memory_space<semaphore_mem>>)
      %dma_start3A_141 = tpu.memref_slice %arg5[%add3A_20] : memref<8192xi32, #tpu.memory_space<hbm>> -> memref<128xi32, #tpu.memory_space<hbm>>
      %dma_start3A_142 = tpu.memref_slice %arg5[%add3A_20] : memref<8192xi32, #tpu.memory_space<hbm>> -> memref<128xi32, #tpu.memory_space<hbm>>
      tpu.enqueue_dma source(%dma_start3A_142 : memref<128xi32, #tpu.memory_space<hbm>>) target(%arg12 : memref<128xi32, #tpu.memory_space<vmem>>) target_semaphore(%arg25 : memref<!tpu.dma_semaphore, #tpu.memory_space<semaphore_mem>>)
    } else {
    }
    %mul3A_29 = arith.constant 1 : i32
    %mul3A_30 = arith.constant 128 : i32
    %mul3A_31 = arith.muli %mul3A_29, %mul3A_30 : i32
    %add3A_32 = arith.addi %mul3A_2, %mul3A_31 : i32
    %sub3A_33 = arith.constant 1 : i32
    %sub3A_34 = arith.constant 78 : i32
    %sub3A_35 = arith.subi %sub3A_33, %sub3A_34 : i32
    %mul3A_36 = arith.constant 128 : i32
    %mul3A_37 = arith.muli %sub3A_35, %mul3A_36 : i32
    %add3A_38 = arith.addi %mul3A_4, %mul3A_37 : i32
    %lt3A_39 = arith.constant 1 : i32
    %lt3A_40 = arith.constant 78 : i32
    %lt3A_41 = arith.cmpi slt, %lt3A_39, %lt3A_40 : i32
    %convert_element_type3A_42 = arith.extui %lt3A_41 : i1 to i32
    %cond3A_43 = arith.constant 0 : i32
    %cond3A_44 = arith.cmpi ne, %convert_element_type3A_42, %cond3A_43 : i32
    scf.if %cond3A_44 {
      %dma_start3A_139 = tpu.memref_slice %arg2[%add3A_32] : memref<320000xi32, #tpu.memory_space<hbm>> -> memref<128xi32, #tpu.memory_space<hbm>>
      %dma_start3A_140 = tpu.memref_slice %arg2[%add3A_32] : memref<320000xi32, #tpu.memory_space<hbm>> -> memref<128xi32, #tpu.memory_space<hbm>>
      tpu.enqueue_dma source(%dma_start3A_140 : memref<128xi32, #tpu.memory_space<hbm>>) target(%arg13 : memref<128xi32, #tpu.memory_space<vmem>>) target_semaphore(%arg26 : memref<!tpu.dma_semaphore, #tpu.memory_space<semaphore_mem>>)
      %dma_start3A_141 = tpu.memref_slice %arg3[%add3A_32] : memref<320000xi32, #tpu.memory_space<hbm>> -> memref<128xi32, #tpu.memory_space<hbm>>
      %dma_start3A_142 = tpu.memref_slice %arg3[%add3A_32] : memref<320000xi32, #tpu.memory_space<hbm>> -> memref<128xi32, #tpu.memory_space<hbm>>
      tpu.enqueue_dma source(%dma_start3A_142 : memref<128xi32, #tpu.memory_space<hbm>>) target(%arg14 : memref<128xi32, #tpu.memory_space<vmem>>) target_semaphore(%arg26 : memref<!tpu.dma_semaphore, #tpu.memory_space<semaphore_mem>>)
    } else {
    }
    %ge3A_45 = arith.constant 1 : i32
    %ge3A_46 = arith.constant 78 : i32
    %ge3A_47 = arith.cmpi sge, %ge3A_45, %ge3A_46 : i32
    %convert_element_type3A_48 = arith.extui %ge3A_47 : i1 to i32
    %cond3A_49 = arith.constant 0 : i32
    %cond3A_50 = arith.cmpi ne, %convert_element_type3A_48, %cond3A_49 : i32
    scf.if %cond3A_50 {
      %dma_start3A_139 = tpu.memref_slice %arg4[%add3A_38] : memref<8192xi32, #tpu.memory_space<hbm>> -> memref<128xi32, #tpu.memory_space<hbm>>
      %dma_start3A_140 = tpu.memref_slice %arg4[%add3A_38] : memref<8192xi32, #tpu.memory_space<hbm>> -> memref<128xi32, #tpu.memory_space<hbm>>
      tpu.enqueue_dma source(%dma_start3A_140 : memref<128xi32, #tpu.memory_space<hbm>>) target(%arg13 : memref<128xi32, #tpu.memory_space<vmem>>) target_semaphore(%arg26 : memref<!tpu.dma_semaphore, #tpu.memory_space<semaphore_mem>>)
      %dma_start3A_141 = tpu.memref_slice %arg5[%add3A_38] : memref<8192xi32, #tpu.memory_space<hbm>> -> memref<128xi32, #tpu.memory_space<hbm>>
      %dma_start3A_142 = tpu.memref_slice %arg5[%add3A_38] : memref<8192xi32, #tpu.memory_space<hbm>> -> memref<128xi32, #tpu.memory_space<hbm>>
      tpu.enqueue_dma source(%dma_start3A_142 : memref<128xi32, #tpu.memory_space<hbm>>) target(%arg14 : memref<128xi32, #tpu.memory_space<vmem>>) target_semaphore(%arg26 : memref<!tpu.dma_semaphore, #tpu.memory_space<semaphore_mem>>)
    } else {
    }
    %mul3A_51 = arith.constant 2 : i32
    %mul3A_52 = arith.constant 128 : i32
    %mul3A_53 = arith.muli %mul3A_51, %mul3A_52 : i32
    %add3A_54 = arith.addi %mul3A_2, %mul3A_53 : i32
    %sub3A_55 = arith.constant 2 : i32
    %sub3A_56 = arith.constant 78 : i32
    %sub3A_57 = arith.subi %sub3A_55, %sub3A_56 : i32
    %mul3A_58 = arith.constant 128 : i32
    %mul3A_59 = arith.muli %sub3A_57, %mul3A_58 : i32
    %add3A_60 = arith.addi %mul3A_4, %mul3A_59 : i32
    %lt3A_61 = arith.constant 2 : i32
    %lt3A_62 = arith.constant 78 : i32
    %lt3A_63 = arith.cmpi slt, %lt3A_61, %lt3A_62 : i32
    %convert_element_type3A_64 = arith.extui %lt3A_63 : i1 to i32
    %cond3A_65 = arith.constant 0 : i32
    %cond3A_66 = arith.cmpi ne, %convert_element_type3A_64, %cond3A_65 : i32
    scf.if %cond3A_66 {
      %dma_start3A_139 = tpu.memref_slice %arg2[%add3A_54] : memref<320000xi32, #tpu.memory_space<hbm>> -> memref<128xi32, #tpu.memory_space<hbm>>
      %dma_start3A_140 = tpu.memref_slice %arg2[%add3A_54] : memref<320000xi32, #tpu.memory_space<hbm>> -> memref<128xi32, #tpu.memory_space<hbm>>
      tpu.enqueue_dma source(%dma_start3A_140 : memref<128xi32, #tpu.memory_space<hbm>>) target(%arg15 : memref<128xi32, #tpu.memory_space<vmem>>) target_semaphore(%arg27 : memref<!tpu.dma_semaphore, #tpu.memory_space<semaphore_mem>>)
      %dma_start3A_141 = tpu.memref_slice %arg3[%add3A_54] : memref<320000xi32, #tpu.memory_space<hbm>> -> memref<128xi32, #tpu.memory_space<hbm>>
      %dma_start3A_142 = tpu.memref_slice %arg3[%add3A_54] : memref<320000xi32, #tpu.memory_space<hbm>> -> memref<128xi32, #tpu.memory_space<hbm>>
      tpu.enqueue_dma source(%dma_start3A_142 : memref<128xi32, #tpu.memory_space<hbm>>) target(%arg16 : memref<128xi32, #tpu.memory_space<vmem>>) target_semaphore(%arg27 : memref<!tpu.dma_semaphore, #tpu.memory_space<semaphore_mem>>)
    } else {
    }
    %ge3A_67 = arith.constant 2 : i32
    %ge3A_68 = arith.constant 78 : i32
    %ge3A_69 = arith.cmpi sge, %ge3A_67, %ge3A_68 : i32
    %convert_element_type3A_70 = arith.extui %ge3A_69 : i1 to i32
    %cond3A_71 = arith.constant 0 : i32
    %cond3A_72 = arith.cmpi ne, %convert_element_type3A_70, %cond3A_71 : i32
    scf.if %cond3A_72 {
      %dma_start3A_139 = tpu.memref_slice %arg4[%add3A_60] : memref<8192xi32, #tpu.memory_space<hbm>> -> memref<128xi32, #tpu.memory_space<hbm>>
      %dma_start3A_140 = tpu.memref_slice %arg4[%add3A_60] : memref<8192xi32, #tpu.memory_space<hbm>> -> memref<128xi32, #tpu.memory_space<hbm>>
      tpu.enqueue_dma source(%dma_start3A_140 : memref<128xi32, #tpu.memory_space<hbm>>) target(%arg15 : memref<128xi32, #tpu.memory_space<vmem>>) target_semaphore(%arg27 : memref<!tpu.dma_semaphore, #tpu.memory_space<semaphore_mem>>)
      %dma_start3A_141 = tpu.memref_slice %arg5[%add3A_60] : memref<8192xi32, #tpu.memory_space<hbm>> -> memref<128xi32, #tpu.memory_space<hbm>>
      %dma_start3A_142 = tpu.memref_slice %arg5[%add3A_60] : memref<8192xi32, #tpu.memory_space<hbm>> -> memref<128xi32, #tpu.memory_space<hbm>>
      tpu.enqueue_dma source(%dma_start3A_142 : memref<128xi32, #tpu.memory_space<hbm>>) target(%arg16 : memref<128xi32, #tpu.memory_space<vmem>>) target_semaphore(%arg27 : memref<!tpu.dma_semaphore, #tpu.memory_space<semaphore_mem>>)
    } else {
    }
    %mul3A_73 = arith.constant 0 : i32
    %mul3A_74 = arith.constant 128 : i32
    %mul3A_75 = arith.muli %mul3A_73, %mul3A_74 : i32
    %add3A_76 = arith.addi %mul3A_2, %mul3A_75 : i32
    %sub3A_77 = arith.constant 0 : i32
    %sub3A_78 = arith.constant 78 : i32
    %sub3A_79 = arith.subi %sub3A_77, %sub3A_78 : i32
    %mul3A_80 = arith.constant 128 : i32
    %mul3A_81 = arith.muli %sub3A_79, %mul3A_80 : i32
    %add3A_82 = arith.addi %mul3A_4, %mul3A_81 : i32
    %lt3A_83 = arith.constant 0 : i32
    %lt3A_84 = arith.constant 78 : i32
    %lt3A_85 = arith.cmpi slt, %lt3A_83, %lt3A_84 : i32
    %convert_element_type3A_86 = arith.extui %lt3A_85 : i1 to i32
    %cond3A_87 = arith.constant 0 : i32
    %cond3A_88 = arith.cmpi ne, %convert_element_type3A_86, %cond3A_87 : i32
    scf.if %cond3A_88 {
      %dma_wait3A = tpu.memref_slice %arg2[%add3A_76] : memref<320000xi32, #tpu.memory_space<hbm>> -> memref<128xi32, #tpu.memory_space<hbm>>
      %dma_wait3A_139 = tpu.memref_slice %arg2[%add3A_76] : memref<320000xi32, #tpu.memory_space<hbm>> -> memref<128xi32, #tpu.memory_space<hbm>>
      tpu.wait_dma2 semaphore(%arg25 : memref<!tpu.dma_semaphore, #tpu.memory_space<semaphore_mem>>) src(%dma_wait3A_139 : memref<128xi32, #tpu.memory_space<hbm>>) dst(%arg11 : memref<128xi32, #tpu.memory_space<vmem>>)
      %dma_wait3A_140 = tpu.memref_slice %arg3[%add3A_76] : memref<320000xi32, #tpu.memory_space<hbm>> -> memref<128xi32, #tpu.memory_space<hbm>>
      %dma_wait3A_141 = tpu.memref_slice %arg3[%add3A_76] : memref<320000xi32, #tpu.memory_space<hbm>> -> memref<128xi32, #tpu.memory_space<hbm>>
      tpu.wait_dma2 semaphore(%arg25 : memref<!tpu.dma_semaphore, #tpu.memory_space<semaphore_mem>>) src(%dma_wait3A_141 : memref<128xi32, #tpu.memory_space<hbm>>) dst(%arg12 : memref<128xi32, #tpu.memory_space<vmem>>)
    } else {
    }
    %ge3A_89 = arith.constant 0 : i32
    %ge3A_90 = arith.constant 78 : i32
    %ge3A_91 = arith.cmpi sge, %ge3A_89, %ge3A_90 : i32
    %convert_element_type3A_92 = arith.extui %ge3A_91 : i1 to i32
    %cond3A_93 = arith.constant 0 : i32
    %cond3A_94 = arith.cmpi ne, %convert_element_type3A_92, %cond3A_93 : i32
    scf.if %cond3A_94 {
      %dma_wait3A = tpu.memref_slice %arg4[%add3A_82] : memref<8192xi32, #tpu.memory_space<hbm>> -> memref<128xi32, #tpu.memory_space<hbm>>
      %dma_wait3A_139 = tpu.memref_slice %arg4[%add3A_82] : memref<8192xi32, #tpu.memory_space<hbm>> -> memref<128xi32, #tpu.memory_space<hbm>>
      tpu.wait_dma2 semaphore(%arg25 : memref<!tpu.dma_semaphore, #tpu.memory_space<semaphore_mem>>) src(%dma_wait3A_139 : memref<128xi32, #tpu.memory_space<hbm>>) dst(%arg11 : memref<128xi32, #tpu.memory_space<vmem>>)
      %dma_wait3A_140 = tpu.memref_slice %arg5[%add3A_82] : memref<8192xi32, #tpu.memory_space<hbm>> -> memref<128xi32, #tpu.memory_space<hbm>>
      %dma_wait3A_141 = tpu.memref_slice %arg5[%add3A_82] : memref<8192xi32, #tpu.memory_space<hbm>> -> memref<128xi32, #tpu.memory_space<hbm>>
      tpu.wait_dma2 semaphore(%arg25 : memref<!tpu.dma_semaphore, #tpu.memory_space<semaphore_mem>>) src(%dma_wait3A_141 : memref<128xi32, #tpu.memory_space<hbm>>) dst(%arg12 : memref<128xi32, #tpu.memory_space<vmem>>)
    } else {
    }
    %dma_start3A = arith.constant 0 : i32
    %dma_start3A_95 = arith.constant 0 : i32
    %dma_start3A_96 = tpu.memref_slice %arg6[%dma_start3A, %dma_start3A_95] : memref<10000x128xf32, #tpu.memory_space<hbm>> -> memref<10000x128xf32, #tpu.memory_space<hbm>>
    tpu.enqueue_indirect_dma source(%dma_start3A_96 : memref<10000x128xf32, #tpu.memory_space<hbm>>) target(%arg19 : memref<128x128xf32, #tpu.memory_space<vmem>>) offsets(%arg11 : memref<128xi32, #tpu.memory_space<vmem>>) semaphore(%arg23 : memref<!tpu.dma_semaphore, #tpu.memory_space<semaphore_mem>>)
    %mul3A_97 = arith.constant 1 : i32
    %mul3A_98 = arith.constant 128 : i32
    %mul3A_99 = arith.muli %mul3A_97, %mul3A_98 : i32
    %add3A_100 = arith.addi %mul3A_2, %mul3A_99 : i32
    %sub3A_101 = arith.constant 1 : i32
    %sub3A_102 = arith.constant 78 : i32
    %sub3A_103 = arith.subi %sub3A_101, %sub3A_102 : i32
    %mul3A_104 = arith.constant 128 : i32
    %mul3A_105 = arith.muli %sub3A_103, %mul3A_104 : i32
    %add3A_106 = arith.addi %mul3A_4, %mul3A_105 : i32
    %lt3A_107 = arith.constant 1 : i32
    %lt3A_108 = arith.constant 78 : i32
    %lt3A_109 = arith.cmpi slt, %lt3A_107, %lt3A_108 : i32
    %convert_element_type3A_110 = arith.extui %lt3A_109 : i1 to i32
    %cond3A_111 = arith.constant 0 : i32
    %cond3A_112 = arith.cmpi ne, %convert_element_type3A_110, %cond3A_111 : i32
    scf.if %cond3A_112 {
      %dma_wait3A = tpu.memref_slice %arg2[%add3A_100] : memref<320000xi32, #tpu.memory_space<hbm>> -> memref<128xi32, #tpu.memory_space<hbm>>
      %dma_wait3A_139 = tpu.memref_slice %arg2[%add3A_100] : memref<320000xi32, #tpu.memory_space<hbm>> -> memref<128xi32, #tpu.memory_space<hbm>>
      tpu.wait_dma2 semaphore(%arg26 : memref<!tpu.dma_semaphore, #tpu.memory_space<semaphore_mem>>) src(%dma_wait3A_139 : memref<128xi32, #tpu.memory_space<hbm>>) dst(%arg13 : memref<128xi32, #tpu.memory_space<vmem>>)
      %dma_wait3A_140 = tpu.memref_slice %arg3[%add3A_100] : memref<320000xi32, #tpu.memory_space<hbm>> -> memref<128xi32, #tpu.memory_space<hbm>>
      %dma_wait3A_141 = tpu.memref_slice %arg3[%add3A_100] : memref<320000xi32, #tpu.memory_space<hbm>> -> memref<128xi32, #tpu.memory_space<hbm>>
      tpu.wait_dma2 semaphore(%arg26 : memref<!tpu.dma_semaphore, #tpu.memory_space<semaphore_mem>>) src(%dma_wait3A_141 : memref<128xi32, #tpu.memory_space<hbm>>) dst(%arg14 : memref<128xi32, #tpu.memory_space<vmem>>)
    } else {
    }
    %ge3A_113 = arith.constant 1 : i32
    %ge3A_114 = arith.constant 78 : i32
    %ge3A_115 = arith.cmpi sge, %ge3A_113, %ge3A_114 : i32
    %convert_element_type3A_116 = arith.extui %ge3A_115 : i1 to i32
    %cond3A_117 = arith.constant 0 : i32
    %cond3A_118 = arith.cmpi ne, %convert_element_type3A_116, %cond3A_117 : i32
    scf.if %cond3A_118 {
      %dma_wait3A = tpu.memref_slice %arg4[%add3A_106] : memref<8192xi32, #tpu.memory_space<hbm>> -> memref<128xi32, #tpu.memory_space<hbm>>
      %dma_wait3A_139 = tpu.memref_slice %arg4[%add3A_106] : memref<8192xi32, #tpu.memory_space<hbm>> -> memref<128xi32, #tpu.memory_space<hbm>>
      tpu.wait_dma2 semaphore(%arg26 : memref<!tpu.dma_semaphore, #tpu.memory_space<semaphore_mem>>) src(%dma_wait3A_139 : memref<128xi32, #tpu.memory_space<hbm>>) dst(%arg13 : memref<128xi32, #tpu.memory_space<vmem>>)
      %dma_wait3A_140 = tpu.memref_slice %arg5[%add3A_106] : memref<8192xi32, #tpu.memory_space<hbm>> -> memref<128xi32, #tpu.memory_space<hbm>>
      %dma_wait3A_141 = tpu.memref_slice %arg5[%add3A_106] : memref<8192xi32, #tpu.memory_space<hbm>> -> memref<128xi32, #tpu.memory_space<hbm>>
      tpu.wait_dma2 semaphore(%arg26 : memref<!tpu.dma_semaphore, #tpu.memory_space<semaphore_mem>>) src(%dma_wait3A_141 : memref<128xi32, #tpu.memory_space<hbm>>) dst(%arg14 : memref<128xi32, #tpu.memory_space<vmem>>)
    } else {
    }
    %dma_start3A_119 = arith.constant 0 : i32
    %dma_start3A_120 = arith.constant 0 : i32
    %dma_start3A_121 = tpu.memref_slice %arg6[%dma_start3A_119, %dma_start3A_120] : memref<10000x128xf32, #tpu.memory_space<hbm>> -> memref<10000x128xf32, #tpu.memory_space<hbm>>
    tpu.enqueue_indirect_dma source(%dma_start3A_121 : memref<10000x128xf32, #tpu.memory_space<hbm>>) target(%arg20 : memref<128x128xf32, #tpu.memory_space<vmem>>) offsets(%arg13 : memref<128xi32, #tpu.memory_space<vmem>>) semaphore(%arg24 : memref<!tpu.dma_semaphore, #tpu.memory_space<semaphore_mem>>)
    %scan3A_122 = arith.constant 0 : i32
    %scan3A_123 = arith.constant 0 : i32
    %scan3A_124 = arith.constant 20 : i32
    %scan3A_125 = arith.addi %scan3A_123, %scan3A_124 : i32
    %scan3A_126 = arith.constant 1 : i32
    %scan3A_127 = scf.for %scan3A_139 = %scan3A_123 to %scan3A_125 step %scan3A_126 iter_args(%scan3A_140 = %scan3A_122) -> (i32)  : i32 {
      %dma_wait3A = arith.constant 0 : i32
      %dma_wait3A_141 = arith.constant 0 : i32
      %dma_wait3A_142 = tpu.memref_slice %arg6[%dma_wait3A, %dma_wait3A_141] : memref<10000x128xf32, #tpu.memory_space<hbm>> -> memref<10000x128xf32, #tpu.memory_space<hbm>>
      tpu.wait_indirect_dma semaphore(%arg23 : memref<!tpu.dma_semaphore, #tpu.memory_space<semaphore_mem>>) src(%dma_wait3A_142 : memref<10000x128xf32, #tpu.memory_space<hbm>>) dst(%arg19 : memref<128x128xf32, #tpu.memory_space<vmem>>)
      %dma_start3A_143 = arith.constant 0 : i32
      %dma_start3A_144 = arith.constant 0 : i32
      %dma_start3A_145 = tpu.memref_slice %arg22[%dma_start3A_143, %dma_start3A_144] : memref<10240x128xf32, #tpu.memory_space<vmem_shared>> -> memref<10240x128xf32, #tpu.memory_space<vmem_shared>>
      tpu.enqueue_indirect_dma source(%arg19 : memref<128x128xf32, #tpu.memory_space<vmem>>) target(%dma_start3A_145 : memref<10240x128xf32, #tpu.memory_space<vmem_shared>>) offsets(%arg12 : memref<128xi32, #tpu.memory_space<vmem>>) semaphore(%arg29 : memref<!tpu.dma_semaphore, #tpu.memory_space<semaphore_mem>>) {add = true}
      %mul3A_146 = arith.constant 4 : i32
      %mul3A_147 = arith.muli %mul3A_146, %scan3A_139 : i32
      %add3A_148 = arith.constant 0 : i32
      %add3A_149 = arith.addi %mul3A_147, %add3A_148 : i32
      %lt3A_150 = arith.constant 77 : i32
      %lt3A_151 = arith.cmpi slt, %add3A_149, %lt3A_150 : i32
      %convert_element_type3A_152 = arith.extui %lt3A_151 : i1 to i32
      %cond3A_153 = arith.constant 0 : i32
      %cond3A_154 = arith.cmpi ne, %convert_element_type3A_152, %cond3A_153 : i32
      scf.if %cond3A_154 {
        %add3A_296 = arith.constant 3 : i32
        %add3A_297 = arith.addi %add3A_149, %add3A_296 : i32
        %mul3A_298 = arith.constant 128 : i32
        %mul3A_299 = arith.muli %add3A_297, %mul3A_298 : i32
        %add3A_300 = arith.addi %mul3A_2, %mul3A_299 : i32
        %sub3A_301 = arith.constant 78 : i32
        %sub3A_302 = arith.subi %add3A_297, %sub3A_301 : i32
        %mul3A_303 = arith.constant 128 : i32
        %mul3A_304 = arith.muli %sub3A_302, %mul3A_303 : i32
        %add3A_305 = arith.addi %mul3A_4, %mul3A_304 : i32
        %lt3A_306 = arith.constant 78 : i32
        %lt3A_307 = arith.cmpi slt, %add3A_297, %lt3A_306 : i32
        %convert_element_type3A_308 = arith.extui %lt3A_307 : i1 to i32
        %cond3A_309 = arith.constant 0 : i32
        %cond3A_310 = arith.cmpi ne, %convert_element_type3A_308, %cond3A_309 : i32
        scf.if %cond3A_310 {
          %dma_start3A_316 = tpu.memref_slice %arg2[%add3A_300] : memref<320000xi32, #tpu.memory_space<hbm>> -> memref<128xi32, #tpu.memory_space<hbm>>
          %dma_start3A_317 = tpu.memref_slice %arg2[%add3A_300] : memref<320000xi32, #tpu.memory_space<hbm>> -> memref<128xi32, #tpu.memory_space<hbm>>
          tpu.enqueue_dma source(%dma_start3A_317 : memref<128xi32, #tpu.memory_space<hbm>>) target(%arg17 : memref<128xi32, #tpu.memory_space<vmem>>) target_semaphore(%arg28 : memref<!tpu.dma_semaphore, #tpu.memory_space<semaphore_mem>>)
          %dma_start3A_318 = tpu.memref_slice %arg3[%add3A_300] : memref<320000xi32, #tpu.memory_space<hbm>> -> memref<128xi32, #tpu.memory_space<hbm>>
          %dma_start3A_319 = tpu.memref_slice %arg3[%add3A_300] : memref<320000xi32, #tpu.memory_space<hbm>> -> memref<128xi32, #tpu.memory_space<hbm>>
          tpu.enqueue_dma source(%dma_start3A_319 : memref<128xi32, #tpu.memory_space<hbm>>) target(%arg18 : memref<128xi32, #tpu.memory_space<vmem>>) target_semaphore(%arg28 : memref<!tpu.dma_semaphore, #tpu.memory_space<semaphore_mem>>)
        } else {
        }
        %ge3A_311 = arith.constant 78 : i32
        %ge3A_312 = arith.cmpi sge, %add3A_297, %ge3A_311 : i32
        %convert_element_type3A_313 = arith.extui %ge3A_312 : i1 to i32
        %cond3A_314 = arith.constant 0 : i32
        %cond3A_315 = arith.cmpi ne, %convert_element_type3A_313, %cond3A_314 : i32
        scf.if %cond3A_315 {
          %dma_start3A_316 = tpu.memref_slice %arg4[%add3A_305] : memref<8192xi32, #tpu.memory_space<hbm>> -> memref<128xi32, #tpu.memory_space<hbm>>
          %dma_start3A_317 = tpu.memref_slice %arg4[%add3A_305] : memref<8192xi32, #tpu.memory_space<hbm>> -> memref<128xi32, #tpu.memory_space<hbm>>
          tpu.enqueue_dma source(%dma_start3A_317 : memref<128xi32, #tpu.memory_space<hbm>>) target(%arg17 : memref<128xi32, #tpu.memory_space<vmem>>) target_semaphore(%arg28 : memref<!tpu.dma_semaphore, #tpu.memory_space<semaphore_mem>>)
          %dma_start3A_318 = tpu.memref_slice %arg5[%add3A_305] : memref<8192xi32, #tpu.memory_space<hbm>> -> memref<128xi32, #tpu.memory_space<hbm>>
          %dma_start3A_319 = tpu.memref_slice %arg5[%add3A_305] : memref<8192xi32, #tpu.memory_space<hbm>> -> memref<128xi32, #tpu.memory_space<hbm>>
          tpu.enqueue_dma source(%dma_start3A_319 : memref<128xi32, #tpu.memory_space<hbm>>) target(%arg18 : memref<128xi32, #tpu.memory_space<vmem>>) target_semaphore(%arg28 : memref<!tpu.dma_semaphore, #tpu.memory_space<semaphore_mem>>)
        } else {
        }
      } else {
      }
      %get3A = arith.constant 0 : index
      %get3A_155 = tpu.vector_load %arg12[%get3A] {strides = array<i32>} : memref<128xi32, #tpu.memory_space<vmem>>, vector<16xi32>,
      tpu.vector_store_idx %arg21[%get3A_155], %broadcast_in_dim3A_5 {add = true} : memref<10240xf32, #tpu.memory_space<vmem>>[vector<16xi32>], vector<16xf32>,
      %get3A_156 = arith.constant 16 : index
      %get3A_157 = tpu.vector_load %arg12[%get3A_156] {strides = array<i32>} : memref<128xi32, #tpu.memory_space<vmem>>, vector<16xi32>,
      tpu.vector_store_idx %arg21[%get3A_157], %broadcast_in_dim3A_5 {add = true} : memref<10240xf32, #tpu.memory_space<vmem>>[vector<16xi32>], vector<16xf32>,
      %get3A_158 = arith.constant 32 : index
      %get3A_159 = tpu.vector_load %arg12[%get3A_158] {strides = array<i32>} : memref<128xi32, #tpu.memory_space<vmem>>, vector<16xi32>,
      tpu.vector_store_idx %arg21[%get3A_159], %broadcast_in_dim3A_5 {add = true} : memref<10240xf32, #tpu.memory_space<vmem>>[vector<16xi32>], vector<16xf32>,
      %get3A_160 = arith.constant 48 : index
      %get3A_161 = tpu.vector_load %arg12[%get3A_160] {strides = array<i32>} : memref<128xi32, #tpu.memory_space<vmem>>, vector<16xi32>,
      tpu.vector_store_idx %arg21[%get3A_161], %broadcast_in_dim3A_5 {add = true} : memref<10240xf32, #tpu.memory_space<vmem>>[vector<16xi32>], vector<16xf32>,
      %get3A_162 = arith.constant 64 : index
      %get3A_163 = tpu.vector_load %arg12[%get3A_162] {strides = array<i32>} : memref<128xi32, #tpu.memory_space<vmem>>, vector<16xi32>,
      tpu.vector_store_idx %arg21[%get3A_163], %broadcast_in_dim3A_5 {add = true} : memref<10240xf32, #tpu.memory_space<vmem>>[vector<16xi32>], vector<16xf32>,
      %get3A_164 = arith.constant 80 : index
      %get3A_165 = tpu.vector_load %arg12[%get3A_164] {strides = array<i32>} : memref<128xi32, #tpu.memory_space<vmem>>, vector<16xi32>,
      tpu.vector_store_idx %arg21[%get3A_165], %broadcast_in_dim3A_5 {add = true} : memref<10240xf32, #tpu.memory_space<vmem>>[vector<16xi32>], vector<16xf32>,
      %get3A_166 = arith.constant 96 : index
      %get3A_167 = tpu.vector_load %arg12[%get3A_166] {strides = array<i32>} : memref<128xi32, #tpu.memory_space<vmem>>, vector<16xi32>,
      tpu.vector_store_idx %arg21[%get3A_167], %broadcast_in_dim3A_5 {add = true} : memref<10240xf32, #tpu.memory_space<vmem>>[vector<16xi32>], vector<16xf32>,
      %get3A_168 = arith.constant 112 : index
      %get3A_169 = tpu.vector_load %arg12[%get3A_168] {strides = array<i32>} : memref<128xi32, #tpu.memory_space<vmem>>, vector<16xi32>,
      tpu.vector_store_idx %arg21[%get3A_169], %broadcast_in_dim3A_5 {add = true} : memref<10240xf32, #tpu.memory_space<vmem>>[vector<16xi32>], vector<16xf32>,
      %dma_wait3A_170 = arith.constant 0 : i32
      %dma_wait3A_171 = arith.constant 0 : i32
      %dma_wait3A_172 = tpu.memref_slice %arg22[%dma_wait3A_170, %dma_wait3A_171] : memref<10240x128xf32, #tpu.memory_space<vmem_shared>> -> memref<10240x128xf32, #tpu.memory_space<vmem_shared>>
      tpu.wait_indirect_dma semaphore(%arg29 : memref<!tpu.dma_semaphore, #tpu.memory_space<semaphore_mem>>) src(%arg19 : memref<128x128xf32, #tpu.memory_space<vmem>>) dst(%dma_wait3A_172 : memref<10240x128xf32, #tpu.memory_space<vmem_shared>>)
      %lt3A_173 = arith.constant 78 : i32
      %lt3A_174 = arith.cmpi slt, %add3A_149, %lt3A_173 : i32
      %convert_element_type3A_175 = arith.extui %lt3A_174 : i1 to i32
      %cond3A_176 = arith.constant 0 : i32
      %cond3A_177 = arith.cmpi ne, %convert_element_type3A_175, %cond3A_176 : i32
      scf.if %cond3A_177 {
        %add3A_296 = arith.constant 2 : i32
        %add3A_297 = arith.addi %add3A_149, %add3A_296 : i32
        %mul3A_298 = arith.constant 128 : i32
        %mul3A_299 = arith.muli %add3A_297, %mul3A_298 : i32
        %add3A_300 = arith.addi %mul3A_2, %mul3A_299 : i32
        %sub3A_301 = arith.constant 78 : i32
        %sub3A_302 = arith.subi %add3A_297, %sub3A_301 : i32
        %mul3A_303 = arith.constant 128 : i32
        %mul3A_304 = arith.muli %sub3A_302, %mul3A_303 : i32
        %add3A_305 = arith.addi %mul3A_4, %mul3A_304 : i32
        %lt3A_306 = arith.constant 78 : i32
        %lt3A_307 = arith.cmpi slt, %add3A_297, %lt3A_306 : i32
        %convert_element_type3A_308 = arith.extui %lt3A_307 : i1 to i32
        %cond3A_309 = arith.constant 0 : i32
        %cond3A_310 = arith.cmpi ne, %convert_element_type3A_308, %cond3A_309 : i32
        scf.if %cond3A_310 {
          %dma_wait3A_319 = tpu.memref_slice %arg2[%add3A_300] : memref<320000xi32, #tpu.memory_space<hbm>> -> memref<128xi32, #tpu.memory_space<hbm>>
          %dma_wait3A_320 = tpu.memref_slice %arg2[%add3A_300] : memref<320000xi32, #tpu.memory_space<hbm>> -> memref<128xi32, #tpu.memory_space<hbm>>
          tpu.wait_dma2 semaphore(%arg27 : memref<!tpu.dma_semaphore, #tpu.memory_space<semaphore_mem>>) src(%dma_wait3A_320 : memref<128xi32, #tpu.memory_space<hbm>>) dst(%arg15 : memref<128xi32, #tpu.memory_space<vmem>>)
          %dma_wait3A_321 = tpu.memref_slice %arg3[%add3A_300] : memref<320000xi32, #tpu.memory_space<hbm>> -> memref<128xi32, #tpu.memory_space<hbm>>
          %dma_wait3A_322 = tpu.memref_slice %arg3[%add3A_300] : memref<320000xi32, #tpu.memory_space<hbm>> -> memref<128xi32, #tpu.memory_space<hbm>>
          tpu.wait_dma2 semaphore(%arg27 : memref<!tpu.dma_semaphore, #tpu.memory_space<semaphore_mem>>) src(%dma_wait3A_322 : memref<128xi32, #tpu.memory_space<hbm>>) dst(%arg16 : memref<128xi32, #tpu.memory_space<vmem>>)
        } else {
        }
        %ge3A_311 = arith.constant 78 : i32
        %ge3A_312 = arith.cmpi sge, %add3A_297, %ge3A_311 : i32
        %convert_element_type3A_313 = arith.extui %ge3A_312 : i1 to i32
        %cond3A_314 = arith.constant 0 : i32
        %cond3A_315 = arith.cmpi ne, %convert_element_type3A_313, %cond3A_314 : i32
        scf.if %cond3A_315 {
          %dma_wait3A_319 = tpu.memref_slice %arg4[%add3A_305] : memref<8192xi32, #tpu.memory_space<hbm>> -> memref<128xi32, #tpu.memory_space<hbm>>
          %dma_wait3A_320 = tpu.memref_slice %arg4[%add3A_305] : memref<8192xi32, #tpu.memory_space<hbm>> -> memref<128xi32, #tpu.memory_space<hbm>>
          tpu.wait_dma2 semaphore(%arg27 : memref<!tpu.dma_semaphore, #tpu.memory_space<semaphore_mem>>) src(%dma_wait3A_320 : memref<128xi32, #tpu.memory_space<hbm>>) dst(%arg15 : memref<128xi32, #tpu.memory_space<vmem>>)
          %dma_wait3A_321 = tpu.memref_slice %arg5[%add3A_305] : memref<8192xi32, #tpu.memory_space<hbm>> -> memref<128xi32, #tpu.memory_space<hbm>>
          %dma_wait3A_322 = tpu.memref_slice %arg5[%add3A_305] : memref<8192xi32, #tpu.memory_space<hbm>> -> memref<128xi32, #tpu.memory_space<hbm>>
          tpu.wait_dma2 semaphore(%arg27 : memref<!tpu.dma_semaphore, #tpu.memory_space<semaphore_mem>>) src(%dma_wait3A_322 : memref<128xi32, #tpu.memory_space<hbm>>) dst(%arg16 : memref<128xi32, #tpu.memory_space<vmem>>)
        } else {
        }
        %dma_start3A_316 = arith.constant 0 : i32
        %dma_start3A_317 = arith.constant 0 : i32
        %dma_start3A_318 = tpu.memref_slice %arg6[%dma_start3A_316, %dma_start3A_317] : memref<10000x128xf32, #tpu.memory_space<hbm>> -> memref<10000x128xf32, #tpu.memory_space<hbm>>
        tpu.enqueue_indirect_dma source(%dma_start3A_318 : memref<10000x128xf32, #tpu.memory_space<hbm>>) target(%arg19 : memref<128x128xf32, #tpu.memory_space<vmem>>) offsets(%arg15 : memref<128xi32, #tpu.memory_space<vmem>>) semaphore(%arg23 : memref<!tpu.dma_semaphore, #tpu.memory_space<semaphore_mem>>)
      } else {
      }
      %dma_wait3A_178 = arith.constant 0 : i32
      %dma_wait3A_179 = arith.constant 0 : i32
      %dma_wait3A_180 = tpu.memref_slice %arg6[%dma_wait3A_178, %dma_wait3A_179] : memref<10000x128xf32, #tpu.memory_space<hbm>> -> memref<10000x128xf32, #tpu.memory_space<hbm>>
      tpu.wait_indirect_dma semaphore(%arg24 : memref<!tpu.dma_semaphore, #tpu.memory_space<semaphore_mem>>) src(%dma_wait3A_180 : memref<10000x128xf32, #tpu.memory_space<hbm>>) dst(%arg20 : memref<128x128xf32, #tpu.memory_space<vmem>>)
      %dma_start3A_181 = arith.constant 0 : i32
      %dma_start3A_182 = arith.constant 0 : i32
      %dma_start3A_183 = tpu.memref_slice %arg22[%dma_start3A_181, %dma_start3A_182] : memref<10240x128xf32, #tpu.memory_space<vmem_shared>> -> memref<10240x128xf32, #tpu.memory_space<vmem_shared>>
      tpu.enqueue_indirect_dma source(%arg20 : memref<128x128xf32, #tpu.memory_space<vmem>>) target(%dma_start3A_183 : memref<10240x128xf32, #tpu.memory_space<vmem_shared>>) offsets(%arg14 : memref<128xi32, #tpu.memory_space<vmem>>) semaphore(%arg29 : memref<!tpu.dma_semaphore, #tpu.memory_space<semaphore_mem>>) {add = true}
      %mul3A_184 = arith.constant 4 : i32
      %mul3A_185 = arith.muli %mul3A_184, %scan3A_139 : i32
      %add3A_186 = arith.constant 1 : i32
      %add3A_187 = arith.addi %mul3A_185, %add3A_186 : i32
      %lt3A_188 = arith.constant 77 : i32
      %lt3A_189 = arith.cmpi slt, %add3A_187, %lt3A_188 : i32
      %convert_element_type3A_190 = arith.extui %lt3A_189 : i1 to i32
      %cond3A_191 = arith.constant 0 : i32
      %cond3A_192 = arith.cmpi ne, %convert_element_type3A_190, %cond3A_191 : i32
      scf.if %cond3A_192 {
        %add3A_296 = arith.constant 3 : i32
        %add3A_297 = arith.addi %add3A_187, %add3A_296 : i32
        %mul3A_298 = arith.constant 128 : i32
        %mul3A_299 = arith.muli %add3A_297, %mul3A_298 : i32
        %add3A_300 = arith.addi %mul3A_2, %mul3A_299 : i32
        %sub3A_301 = arith.constant 78 : i32
        %sub3A_302 = arith.subi %add3A_297, %sub3A_301 : i32
        %mul3A_303 = arith.constant 128 : i32
        %mul3A_304 = arith.muli %sub3A_302, %mul3A_303 : i32
        %add3A_305 = arith.addi %mul3A_4, %mul3A_304 : i32
        %lt3A_306 = arith.constant 78 : i32
        %lt3A_307 = arith.cmpi slt, %add3A_297, %lt3A_306 : i32
        %convert_element_type3A_308 = arith.extui %lt3A_307 : i1 to i32
        %cond3A_309 = arith.constant 0 : i32
        %cond3A_310 = arith.cmpi ne, %convert_element_type3A_308, %cond3A_309 : i32
        scf.if %cond3A_310 {
          %dma_start3A_316 = tpu.memref_slice %arg2[%add3A_300] : memref<320000xi32, #tpu.memory_space<hbm>> -> memref<128xi32, #tpu.memory_space<hbm>>
          %dma_start3A_317 = tpu.memref_slice %arg2[%add3A_300] : memref<320000xi32, #tpu.memory_space<hbm>> -> memref<128xi32, #tpu.memory_space<hbm>>
          tpu.enqueue_dma source(%dma_start3A_317 : memref<128xi32, #tpu.memory_space<hbm>>) target(%arg11 : memref<128xi32, #tpu.memory_space<vmem>>) target_semaphore(%arg25 : memref<!tpu.dma_semaphore, #tpu.memory_space<semaphore_mem>>)
          %dma_start3A_318 = tpu.memref_slice %arg3[%add3A_300] : memref<320000xi32, #tpu.memory_space<hbm>> -> memref<128xi32, #tpu.memory_space<hbm>>
          %dma_start3A_319 = tpu.memref_slice %arg3[%add3A_300] : memref<320000xi32, #tpu.memory_space<hbm>> -> memref<128xi32, #tpu.memory_space<hbm>>
          tpu.enqueue_dma source(%dma_start3A_319 : memref<128xi32, #tpu.memory_space<hbm>>) target(%arg12 : memref<128xi32, #tpu.memory_space<vmem>>) target_semaphore(%arg25 : memref<!tpu.dma_semaphore, #tpu.memory_space<semaphore_mem>>)
        } else {
        }
        %ge3A_311 = arith.constant 78 : i32
        %ge3A_312 = arith.cmpi sge, %add3A_297, %ge3A_311 : i32
        %convert_element_type3A_313 = arith.extui %ge3A_312 : i1 to i32
        %cond3A_314 = arith.constant 0 : i32
        %cond3A_315 = arith.cmpi ne, %convert_element_type3A_313, %cond3A_314 : i32
        scf.if %cond3A_315 {
          %dma_start3A_316 = tpu.memref_slice %arg4[%add3A_305] : memref<8192xi32, #tpu.memory_space<hbm>> -> memref<128xi32, #tpu.memory_space<hbm>>
          %dma_start3A_317 = tpu.memref_slice %arg4[%add3A_305] : memref<8192xi32, #tpu.memory_space<hbm>> -> memref<128xi32, #tpu.memory_space<hbm>>
          tpu.enqueue_dma source(%dma_start3A_317 : memref<128xi32, #tpu.memory_space<hbm>>) target(%arg11 : memref<128xi32, #tpu.memory_space<vmem>>) target_semaphore(%arg25 : memref<!tpu.dma_semaphore, #tpu.memory_space<semaphore_mem>>)
          %dma_start3A_318 = tpu.memref_slice %arg5[%add3A_305] : memref<8192xi32, #tpu.memory_space<hbm>> -> memref<128xi32, #tpu.memory_space<hbm>>
          %dma_start3A_319 = tpu.memref_slice %arg5[%add3A_305] : memref<8192xi32, #tpu.memory_space<hbm>> -> memref<128xi32, #tpu.memory_space<hbm>>
          tpu.enqueue_dma source(%dma_start3A_319 : memref<128xi32, #tpu.memory_space<hbm>>) target(%arg12 : memref<128xi32, #tpu.memory_space<vmem>>) target_semaphore(%arg25 : memref<!tpu.dma_semaphore, #tpu.memory_space<semaphore_mem>>)
        } else {
        }
      } else {
      }
      %get3A_193 = arith.constant 0 : index
      %get3A_194 = tpu.vector_load %arg14[%get3A_193] {strides = array<i32>} : memref<128xi32, #tpu.memory_space<vmem>>, vector<16xi32>,
      tpu.vector_store_idx %arg21[%get3A_194], %broadcast_in_dim3A_5 {add = true} : memref<10240xf32, #tpu.memory_space<vmem>>[vector<16xi32>], vector<16xf32>,
      %get3A_195 = arith.constant 16 : index
      %get3A_196 = tpu.vector_load %arg14[%get3A_195] {strides = array<i32>} : memref<128xi32, #tpu.memory_space<vmem>>, vector<16xi32>,
      tpu.vector_store_idx %arg21[%get3A_196], %broadcast_in_dim3A_5 {add = true} : memref<10240xf32, #tpu.memory_space<vmem>>[vector<16xi32>], vector<16xf32>,
      %get3A_197 = arith.constant 32 : index
      %get3A_198 = tpu.vector_load %arg14[%get3A_197] {strides = array<i32>} : memref<128xi32, #tpu.memory_space<vmem>>, vector<16xi32>,
      tpu.vector_store_idx %arg21[%get3A_198], %broadcast_in_dim3A_5 {add = true} : memref<10240xf32, #tpu.memory_space<vmem>>[vector<16xi32>], vector<16xf32>,
      %get3A_199 = arith.constant 48 : index
      %get3A_200 = tpu.vector_load %arg14[%get3A_199] {strides = array<i32>} : memref<128xi32, #tpu.memory_space<vmem>>, vector<16xi32>,
      tpu.vector_store_idx %arg21[%get3A_200], %broadcast_in_dim3A_5 {add = true} : memref<10240xf32, #tpu.memory_space<vmem>>[vector<16xi32>], vector<16xf32>,
      %get3A_201 = arith.constant 64 : index
      %get3A_202 = tpu.vector_load %arg14[%get3A_201] {strides = array<i32>} : memref<128xi32, #tpu.memory_space<vmem>>, vector<16xi32>,
      tpu.vector_store_idx %arg21[%get3A_202], %broadcast_in_dim3A_5 {add = true} : memref<10240xf32, #tpu.memory_space<vmem>>[vector<16xi32>], vector<16xf32>,
      %get3A_203 = arith.constant 80 : index
      %get3A_204 = tpu.vector_load %arg14[%get3A_203] {strides = array<i32>} : memref<128xi32, #tpu.memory_space<vmem>>, vector<16xi32>,
      tpu.vector_store_idx %arg21[%get3A_204], %broadcast_in_dim3A_5 {add = true} : memref<10240xf32, #tpu.memory_space<vmem>>[vector<16xi32>], vector<16xf32>,
      %get3A_205 = arith.constant 96 : index
      %get3A_206 = tpu.vector_load %arg14[%get3A_205] {strides = array<i32>} : memref<128xi32, #tpu.memory_space<vmem>>, vector<16xi32>,
      tpu.vector_store_idx %arg21[%get3A_206], %broadcast_in_dim3A_5 {add = true} : memref<10240xf32, #tpu.memory_space<vmem>>[vector<16xi32>], vector<16xf32>,
      %get3A_207 = arith.constant 112 : index
      %get3A_208 = tpu.vector_load %arg14[%get3A_207] {strides = array<i32>} : memref<128xi32, #tpu.memory_space<vmem>>, vector<16xi32>,
      tpu.vector_store_idx %arg21[%get3A_208], %broadcast_in_dim3A_5 {add = true} : memref<10240xf32, #tpu.memory_space<vmem>>[vector<16xi32>], vector<16xf32>,
      %dma_wait3A_209 = arith.constant 0 : i32
      %dma_wait3A_210 = arith.constant 0 : i32
      %dma_wait3A_211 = tpu.memref_slice %arg22[%dma_wait3A_209, %dma_wait3A_210] : memref<10240x128xf32, #tpu.memory_space<vmem_shared>> -> memref<10240x128xf32, #tpu.memory_space<vmem_shared>>
      tpu.wait_indirect_dma semaphore(%arg29 : memref<!tpu.dma_semaphore, #tpu.memory_space<semaphore_mem>>) src(%arg20 : memref<128x128xf32, #tpu.memory_space<vmem>>) dst(%dma_wait3A_211 : memref<10240x128xf32, #tpu.memory_space<vmem_shared>>)
      %lt3A_212 = arith.constant 78 : i32
      %lt3A_213 = arith.cmpi slt, %add3A_187, %lt3A_212 : i32
      %convert_element_type3A_214 = arith.extui %lt3A_213 : i1 to i32
      %cond3A_215 = arith.constant 0 : i32
      %cond3A_216 = arith.cmpi ne, %convert_element_type3A_214, %cond3A_215 : i32
      scf.if %cond3A_216 {
        %add3A_296 = arith.constant 2 : i32
        %add3A_297 = arith.addi %add3A_187, %add3A_296 : i32
        %mul3A_298 = arith.constant 128 : i32
        %mul3A_299 = arith.muli %add3A_297, %mul3A_298 : i32
        %add3A_300 = arith.addi %mul3A_2, %mul3A_299 : i32
        %sub3A_301 = arith.constant 78 : i32
        %sub3A_302 = arith.subi %add3A_297, %sub3A_301 : i32
        %mul3A_303 = arith.constant 128 : i32
        %mul3A_304 = arith.muli %sub3A_302, %mul3A_303 : i32
        %add3A_305 = arith.addi %mul3A_4, %mul3A_304 : i32
        %lt3A_306 = arith.constant 78 : i32
        %lt3A_307 = arith.cmpi slt, %add3A_297, %lt3A_306 : i32
        %convert_element_type3A_308 = arith.extui %lt3A_307 : i1 to i32
        %cond3A_309 = arith.constant 0 : i32
        %cond3A_310 = arith.cmpi ne, %convert_element_type3A_308, %cond3A_309 : i32
        scf.if %cond3A_310 {
          %dma_wait3A_319 = tpu.memref_slice %arg2[%add3A_300] : memref<320000xi32, #tpu.memory_space<hbm>> -> memref<128xi32, #tpu.memory_space<hbm>>
          %dma_wait3A_320 = tpu.memref_slice %arg2[%add3A_300] : memref<320000xi32, #tpu.memory_space<hbm>> -> memref<128xi32, #tpu.memory_space<hbm>>
          tpu.wait_dma2 semaphore(%arg28 : memref<!tpu.dma_semaphore, #tpu.memory_space<semaphore_mem>>) src(%dma_wait3A_320 : memref<128xi32, #tpu.memory_space<hbm>>) dst(%arg17 : memref<128xi32, #tpu.memory_space<vmem>>)
          %dma_wait3A_321 = tpu.memref_slice %arg3[%add3A_300] : memref<320000xi32, #tpu.memory_space<hbm>> -> memref<128xi32, #tpu.memory_space<hbm>>
          %dma_wait3A_322 = tpu.memref_slice %arg3[%add3A_300] : memref<320000xi32, #tpu.memory_space<hbm>> -> memref<128xi32, #tpu.memory_space<hbm>>
          tpu.wait_dma2 semaphore(%arg28 : memref<!tpu.dma_semaphore, #tpu.memory_space<semaphore_mem>>) src(%dma_wait3A_322 : memref<128xi32, #tpu.memory_space<hbm>>) dst(%arg18 : memref<128xi32, #tpu.memory_space<vmem>>)
        } else {
        }
        %ge3A_311 = arith.constant 78 : i32
        %ge3A_312 = arith.cmpi sge, %add3A_297, %ge3A_311 : i32
        %convert_element_type3A_313 = arith.extui %ge3A_312 : i1 to i32
        %cond3A_314 = arith.constant 0 : i32
        %cond3A_315 = arith.cmpi ne, %convert_element_type3A_313, %cond3A_314 : i32
        scf.if %cond3A_315 {
          %dma_wait3A_319 = tpu.memref_slice %arg4[%add3A_305] : memref<8192xi32, #tpu.memory_space<hbm>> -> memref<128xi32, #tpu.memory_space<hbm>>
          %dma_wait3A_320 = tpu.memref_slice %arg4[%add3A_305] : memref<8192xi32, #tpu.memory_space<hbm>> -> memref<128xi32, #tpu.memory_space<hbm>>
          tpu.wait_dma2 semaphore(%arg28 : memref<!tpu.dma_semaphore, #tpu.memory_space<semaphore_mem>>) src(%dma_wait3A_320 : memref<128xi32, #tpu.memory_space<hbm>>) dst(%arg17 : memref<128xi32, #tpu.memory_space<vmem>>)
          %dma_wait3A_321 = tpu.memref_slice %arg5[%add3A_305] : memref<8192xi32, #tpu.memory_space<hbm>> -> memref<128xi32, #tpu.memory_space<hbm>>
          %dma_wait3A_322 = tpu.memref_slice %arg5[%add3A_305] : memref<8192xi32, #tpu.memory_space<hbm>> -> memref<128xi32, #tpu.memory_space<hbm>>
          tpu.wait_dma2 semaphore(%arg28 : memref<!tpu.dma_semaphore, #tpu.memory_space<semaphore_mem>>) src(%dma_wait3A_322 : memref<128xi32, #tpu.memory_space<hbm>>) dst(%arg18 : memref<128xi32, #tpu.memory_space<vmem>>)
        } else {
        }
        %dma_start3A_316 = arith.constant 0 : i32
        %dma_start3A_317 = arith.constant 0 : i32
        %dma_start3A_318 = tpu.memref_slice %arg6[%dma_start3A_316, %dma_start3A_317] : memref<10000x128xf32, #tpu.memory_space<hbm>> -> memref<10000x128xf32, #tpu.memory_space<hbm>>
        tpu.enqueue_indirect_dma source(%dma_start3A_318 : memref<10000x128xf32, #tpu.memory_space<hbm>>) target(%arg20 : memref<128x128xf32, #tpu.memory_space<vmem>>) offsets(%arg17 : memref<128xi32, #tpu.memory_space<vmem>>) semaphore(%arg24 : memref<!tpu.dma_semaphore, #tpu.memory_space<semaphore_mem>>)
      } else {
      }
      %dma_wait3A_217 = arith.constant 0 : i32
      %dma_wait3A_218 = arith.constant 0 : i32
      %dma_wait3A_219 = tpu.memref_slice %arg6[%dma_wait3A_217, %dma_wait3A_218] : memref<10000x128xf32, #tpu.memory_space<hbm>> -> memref<10000x128xf32, #tpu.memory_space<hbm>>
      tpu.wait_indirect_dma semaphore(%arg23 : memref<!tpu.dma_semaphore, #tpu.memory_space<semaphore_mem>>) src(%dma_wait3A_219 : memref<10000x128xf32, #tpu.memory_space<hbm>>) dst(%arg19 : memref<128x128xf32, #tpu.memory_space<vmem>>)
      %dma_start3A_220 = arith.constant 0 : i32
      %dma_start3A_221 = arith.constant 0 : i32
      %dma_start3A_222 = tpu.memref_slice %arg22[%dma_start3A_220, %dma_start3A_221] : memref<10240x128xf32, #tpu.memory_space<vmem_shared>> -> memref<10240x128xf32, #tpu.memory_space<vmem_shared>>
      tpu.enqueue_indirect_dma source(%arg19 : memref<128x128xf32, #tpu.memory_space<vmem>>) target(%dma_start3A_222 : memref<10240x128xf32, #tpu.memory_space<vmem_shared>>) offsets(%arg16 : memref<128xi32, #tpu.memory_space<vmem>>) semaphore(%arg29 : memref<!tpu.dma_semaphore, #tpu.memory_space<semaphore_mem>>) {add = true}
      %mul3A_223 = arith.constant 4 : i32
      %mul3A_224 = arith.muli %mul3A_223, %scan3A_139 : i32
      %add3A_225 = arith.constant 2 : i32
      %add3A_226 = arith.addi %mul3A_224, %add3A_225 : i32
      %lt3A_227 = arith.constant 77 : i32
      %lt3A_228 = arith.cmpi slt, %add3A_226, %lt3A_227 : i32
      %convert_element_type3A_229 = arith.extui %lt3A_228 : i1 to i32
      %cond3A_230 = arith.constant 0 : i32
      %cond3A_231 = arith.cmpi ne, %convert_element_type3A_229, %cond3A_230 : i32
      scf.if %cond3A_231 {
        %add3A_296 = arith.constant 3 : i32
        %add3A_297 = arith.addi %add3A_226, %add3A_296 : i32
        %mul3A_298 = arith.constant 128 : i32
        %mul3A_299 = arith.muli %add3A_297, %mul3A_298 : i32
        %add3A_300 = arith.addi %mul3A_2, %mul3A_299 : i32
        %sub3A_301 = arith.constant 78 : i32
        %sub3A_302 = arith.subi %add3A_297, %sub3A_301 : i32
        %mul3A_303 = arith.constant 128 : i32
        %mul3A_304 = arith.muli %sub3A_302, %mul3A_303 : i32
        %add3A_305 = arith.addi %mul3A_4, %mul3A_304 : i32
        %lt3A_306 = arith.constant 78 : i32
        %lt3A_307 = arith.cmpi slt, %add3A_297, %lt3A_306 : i32
        %convert_element_type3A_308 = arith.extui %lt3A_307 : i1 to i32
        %cond3A_309 = arith.constant 0 : i32
        %cond3A_310 = arith.cmpi ne, %convert_element_type3A_308, %cond3A_309 : i32
        scf.if %cond3A_310 {
          %dma_start3A_316 = tpu.memref_slice %arg2[%add3A_300] : memref<320000xi32, #tpu.memory_space<hbm>> -> memref<128xi32, #tpu.memory_space<hbm>>
          %dma_start3A_317 = tpu.memref_slice %arg2[%add3A_300] : memref<320000xi32, #tpu.memory_space<hbm>> -> memref<128xi32, #tpu.memory_space<hbm>>
          tpu.enqueue_dma source(%dma_start3A_317 : memref<128xi32, #tpu.memory_space<hbm>>) target(%arg13 : memref<128xi32, #tpu.memory_space<vmem>>) target_semaphore(%arg26 : memref<!tpu.dma_semaphore, #tpu.memory_space<semaphore_mem>>)
          %dma_start3A_318 = tpu.memref_slice %arg3[%add3A_300] : memref<320000xi32, #tpu.memory_space<hbm>> -> memref<128xi32, #tpu.memory_space<hbm>>
          %dma_start3A_319 = tpu.memref_slice %arg3[%add3A_300] : memref<320000xi32, #tpu.memory_space<hbm>> -> memref<128xi32, #tpu.memory_space<hbm>>
          tpu.enqueue_dma source(%dma_start3A_319 : memref<128xi32, #tpu.memory_space<hbm>>) target(%arg14 : memref<128xi32, #tpu.memory_space<vmem>>) target_semaphore(%arg26 : memref<!tpu.dma_semaphore, #tpu.memory_space<semaphore_mem>>)
        } else {
        }
        %ge3A_311 = arith.constant 78 : i32
        %ge3A_312 = arith.cmpi sge, %add3A_297, %ge3A_311 : i32
        %convert_element_type3A_313 = arith.extui %ge3A_312 : i1 to i32
        %cond3A_314 = arith.constant 0 : i32
        %cond3A_315 = arith.cmpi ne, %convert_element_type3A_313, %cond3A_314 : i32
        scf.if %cond3A_315 {
          %dma_start3A_316 = tpu.memref_slice %arg4[%add3A_305] : memref<8192xi32, #tpu.memory_space<hbm>> -> memref<128xi32, #tpu.memory_space<hbm>>
          %dma_start3A_317 = tpu.memref_slice %arg4[%add3A_305] : memref<8192xi32, #tpu.memory_space<hbm>> -> memref<128xi32, #tpu.memory_space<hbm>>
          tpu.enqueue_dma source(%dma_start3A_317 : memref<128xi32, #tpu.memory_space<hbm>>) target(%arg13 : memref<128xi32, #tpu.memory_space<vmem>>) target_semaphore(%arg26 : memref<!tpu.dma_semaphore, #tpu.memory_space<semaphore_mem>>)
          %dma_start3A_318 = tpu.memref_slice %arg5[%add3A_305] : memref<8192xi32, #tpu.memory_space<hbm>> -> memref<128xi32, #tpu.memory_space<hbm>>
          %dma_start3A_319 = tpu.memref_slice %arg5[%add3A_305] : memref<8192xi32, #tpu.memory_space<hbm>> -> memref<128xi32, #tpu.memory_space<hbm>>
          tpu.enqueue_dma source(%dma_start3A_319 : memref<128xi32, #tpu.memory_space<hbm>>) target(%arg14 : memref<128xi32, #tpu.memory_space<vmem>>) target_semaphore(%arg26 : memref<!tpu.dma_semaphore, #tpu.memory_space<semaphore_mem>>)
        } else {
        }
      } else {
      }
      %get3A_232 = arith.constant 0 : index
      %get3A_233 = tpu.vector_load %arg16[%get3A_232] {strides = array<i32>} : memref<128xi32, #tpu.memory_space<vmem>>, vector<16xi32>,
      tpu.vector_store_idx %arg21[%get3A_233], %broadcast_in_dim3A_5 {add = true} : memref<10240xf32, #tpu.memory_space<vmem>>[vector<16xi32>], vector<16xf32>,
      %get3A_234 = arith.constant 16 : index
      %get3A_235 = tpu.vector_load %arg16[%get3A_234] {strides = array<i32>} : memref<128xi32, #tpu.memory_space<vmem>>, vector<16xi32>,
      tpu.vector_store_idx %arg21[%get3A_235], %broadcast_in_dim3A_5 {add = true} : memref<10240xf32, #tpu.memory_space<vmem>>[vector<16xi32>], vector<16xf32>,
      %get3A_236 = arith.constant 32 : index
      %get3A_237 = tpu.vector_load %arg16[%get3A_236] {strides = array<i32>} : memref<128xi32, #tpu.memory_space<vmem>>, vector<16xi32>,
      tpu.vector_store_idx %arg21[%get3A_237], %broadcast_in_dim3A_5 {add = true} : memref<10240xf32, #tpu.memory_space<vmem>>[vector<16xi32>], vector<16xf32>,
      %get3A_238 = arith.constant 48 : index
      %get3A_239 = tpu.vector_load %arg16[%get3A_238] {strides = array<i32>} : memref<128xi32, #tpu.memory_space<vmem>>, vector<16xi32>,
      tpu.vector_store_idx %arg21[%get3A_239], %broadcast_in_dim3A_5 {add = true} : memref<10240xf32, #tpu.memory_space<vmem>>[vector<16xi32>], vector<16xf32>,
      %get3A_240 = arith.constant 64 : index
      %get3A_241 = tpu.vector_load %arg16[%get3A_240] {strides = array<i32>} : memref<128xi32, #tpu.memory_space<vmem>>, vector<16xi32>,
      tpu.vector_store_idx %arg21[%get3A_241], %broadcast_in_dim3A_5 {add = true} : memref<10240xf32, #tpu.memory_space<vmem>>[vector<16xi32>], vector<16xf32>,
      %get3A_242 = arith.constant 80 : index
      %get3A_243 = tpu.vector_load %arg16[%get3A_242] {strides = array<i32>} : memref<128xi32, #tpu.memory_space<vmem>>, vector<16xi32>,
      tpu.vector_store_idx %arg21[%get3A_243], %broadcast_in_dim3A_5 {add = true} : memref<10240xf32, #tpu.memory_space<vmem>>[vector<16xi32>], vector<16xf32>,
      %get3A_244 = arith.constant 96 : index
      %get3A_245 = tpu.vector_load %arg16[%get3A_244] {strides = array<i32>} : memref<128xi32, #tpu.memory_space<vmem>>, vector<16xi32>,
      tpu.vector_store_idx %arg21[%get3A_245], %broadcast_in_dim3A_5 {add = true} : memref<10240xf32, #tpu.memory_space<vmem>>[vector<16xi32>], vector<16xf32>,
      %get3A_246 = arith.constant 112 : index
      %get3A_247 = tpu.vector_load %arg16[%get3A_246] {strides = array<i32>} : memref<128xi32, #tpu.memory_space<vmem>>, vector<16xi32>,
      tpu.vector_store_idx %arg21[%get3A_247], %broadcast_in_dim3A_5 {add = true} : memref<10240xf32, #tpu.memory_space<vmem>>[vector<16xi32>], vector<16xf32>,
      %dma_wait3A_248 = arith.constant 0 : i32
      %dma_wait3A_249 = arith.constant 0 : i32
      %dma_wait3A_250 = tpu.memref_slice %arg22[%dma_wait3A_248, %dma_wait3A_249] : memref<10240x128xf32, #tpu.memory_space<vmem_shared>> -> memref<10240x128xf32, #tpu.memory_space<vmem_shared>>
      tpu.wait_indirect_dma semaphore(%arg29 : memref<!tpu.dma_semaphore, #tpu.memory_space<semaphore_mem>>) src(%arg19 : memref<128x128xf32, #tpu.memory_space<vmem>>) dst(%dma_wait3A_250 : memref<10240x128xf32, #tpu.memory_space<vmem_shared>>)
      %lt3A_251 = arith.constant 78 : i32
      %lt3A_252 = arith.cmpi slt, %add3A_226, %lt3A_251 : i32
      %convert_element_type3A_253 = arith.extui %lt3A_252 : i1 to i32
      %cond3A_254 = arith.constant 0 : i32
      %cond3A_255 = arith.cmpi ne, %convert_element_type3A_253, %cond3A_254 : i32
      scf.if %cond3A_255 {
        %add3A_296 = arith.constant 2 : i32
        %add3A_297 = arith.addi %add3A_226, %add3A_296 : i32
        %mul3A_298 = arith.constant 128 : i32
        %mul3A_299 = arith.muli %add3A_297, %mul3A_298 : i32
        %add3A_300 = arith.addi %mul3A_2, %mul3A_299 : i32
        %sub3A_301 = arith.constant 78 : i32
        %sub3A_302 = arith.subi %add3A_297, %sub3A_301 : i32
        %mul3A_303 = arith.constant 128 : i32
        %mul3A_304 = arith.muli %sub3A_302, %mul3A_303 : i32
        %add3A_305 = arith.addi %mul3A_4, %mul3A_304 : i32
        %lt3A_306 = arith.constant 78 : i32
        %lt3A_307 = arith.cmpi slt, %add3A_297, %lt3A_306 : i32
        %convert_element_type3A_308 = arith.extui %lt3A_307 : i1 to i32
        %cond3A_309 = arith.constant 0 : i32
        %cond3A_310 = arith.cmpi ne, %convert_element_type3A_308, %cond3A_309 : i32
        scf.if %cond3A_310 {
          %dma_wait3A_319 = tpu.memref_slice %arg2[%add3A_300] : memref<320000xi32, #tpu.memory_space<hbm>> -> memref<128xi32, #tpu.memory_space<hbm>>
          %dma_wait3A_320 = tpu.memref_slice %arg2[%add3A_300] : memref<320000xi32, #tpu.memory_space<hbm>> -> memref<128xi32, #tpu.memory_space<hbm>>
          tpu.wait_dma2 semaphore(%arg25 : memref<!tpu.dma_semaphore, #tpu.memory_space<semaphore_mem>>) src(%dma_wait3A_320 : memref<128xi32, #tpu.memory_space<hbm>>) dst(%arg11 : memref<128xi32, #tpu.memory_space<vmem>>)
          %dma_wait3A_321 = tpu.memref_slice %arg3[%add3A_300] : memref<320000xi32, #tpu.memory_space<hbm>> -> memref<128xi32, #tpu.memory_space<hbm>>
          %dma_wait3A_322 = tpu.memref_slice %arg3[%add3A_300] : memref<320000xi32, #tpu.memory_space<hbm>> -> memref<128xi32, #tpu.memory_space<hbm>>
          tpu.wait_dma2 semaphore(%arg25 : memref<!tpu.dma_semaphore, #tpu.memory_space<semaphore_mem>>) src(%dma_wait3A_322 : memref<128xi32, #tpu.memory_space<hbm>>) dst(%arg12 : memref<128xi32, #tpu.memory_space<vmem>>)
        } else {
        }
        %ge3A_311 = arith.constant 78 : i32
        %ge3A_312 = arith.cmpi sge, %add3A_297, %ge3A_311 : i32
        %convert_element_type3A_313 = arith.extui %ge3A_312 : i1 to i32
        %cond3A_314 = arith.constant 0 : i32
        %cond3A_315 = arith.cmpi ne, %convert_element_type3A_313, %cond3A_314 : i32
        scf.if %cond3A_315 {
          %dma_wait3A_319 = tpu.memref_slice %arg4[%add3A_305] : memref<8192xi32, #tpu.memory_space<hbm>> -> memref<128xi32, #tpu.memory_space<hbm>>
          %dma_wait3A_320 = tpu.memref_slice %arg4[%add3A_305] : memref<8192xi32, #tpu.memory_space<hbm>> -> memref<128xi32, #tpu.memory_space<hbm>>
          tpu.wait_dma2 semaphore(%arg25 : memref<!tpu.dma_semaphore, #tpu.memory_space<semaphore_mem>>) src(%dma_wait3A_320 : memref<128xi32, #tpu.memory_space<hbm>>) dst(%arg11 : memref<128xi32, #tpu.memory_space<vmem>>)
          %dma_wait3A_321 = tpu.memref_slice %arg5[%add3A_305] : memref<8192xi32, #tpu.memory_space<hbm>> -> memref<128xi32, #tpu.memory_space<hbm>>
          %dma_wait3A_322 = tpu.memref_slice %arg5[%add3A_305] : memref<8192xi32, #tpu.memory_space<hbm>> -> memref<128xi32, #tpu.memory_space<hbm>>
          tpu.wait_dma2 semaphore(%arg25 : memref<!tpu.dma_semaphore, #tpu.memory_space<semaphore_mem>>) src(%dma_wait3A_322 : memref<128xi32, #tpu.memory_space<hbm>>) dst(%arg12 : memref<128xi32, #tpu.memory_space<vmem>>)
        } else {
        }
        %dma_start3A_316 = arith.constant 0 : i32
        %dma_start3A_317 = arith.constant 0 : i32
        %dma_start3A_318 = tpu.memref_slice %arg6[%dma_start3A_316, %dma_start3A_317] : memref<10000x128xf32, #tpu.memory_space<hbm>> -> memref<10000x128xf32, #tpu.memory_space<hbm>>
        tpu.enqueue_indirect_dma source(%dma_start3A_318 : memref<10000x128xf32, #tpu.memory_space<hbm>>) target(%arg19 : memref<128x128xf32, #tpu.memory_space<vmem>>) offsets(%arg11 : memref<128xi32, #tpu.memory_space<vmem>>) semaphore(%arg23 : memref<!tpu.dma_semaphore, #tpu.memory_space<semaphore_mem>>)
      } else {
      }
      %dma_wait3A_256 = arith.constant 0 : i32
      %dma_wait3A_257 = arith.constant 0 : i32
      %dma_wait3A_258 = tpu.memref_slice %arg6[%dma_wait3A_256, %dma_wait3A_257] : memref<10000x128xf32, #tpu.memory_space<hbm>> -> memref<10000x128xf32, #tpu.memory_space<hbm>>
      tpu.wait_indirect_dma semaphore(%arg24 : memref<!tpu.dma_semaphore, #tpu.memory_space<semaphore_mem>>) src(%dma_wait3A_258 : memref<10000x128xf32, #tpu.memory_space<hbm>>) dst(%arg20 : memref<128x128xf32, #tpu.memory_space<vmem>>)
      %dma_start3A_259 = arith.constant 0 : i32
      %dma_start3A_260 = arith.constant 0 : i32
      %dma_start3A_261 = tpu.memref_slice %arg22[%dma_start3A_259, %dma_start3A_260] : memref<10240x128xf32, #tpu.memory_space<vmem_shared>> -> memref<10240x128xf32, #tpu.memory_space<vmem_shared>>
      tpu.enqueue_indirect_dma source(%arg20 : memref<128x128xf32, #tpu.memory_space<vmem>>) target(%dma_start3A_261 : memref<10240x128xf32, #tpu.memory_space<vmem_shared>>) offsets(%arg18 : memref<128xi32, #tpu.memory_space<vmem>>) semaphore(%arg29 : memref<!tpu.dma_semaphore, #tpu.memory_space<semaphore_mem>>) {add = true}
      %mul3A_262 = arith.constant 4 : i32
      %mul3A_263 = arith.muli %mul3A_262, %scan3A_139 : i32
      %add3A_264 = arith.constant 3 : i32
      %add3A_265 = arith.addi %mul3A_263, %add3A_264 : i32
      %lt3A_266 = arith.constant 77 : i32
      %lt3A_267 = arith.cmpi slt, %add3A_265, %lt3A_266 : i32
      %convert_element_type3A_268 = arith.extui %lt3A_267 : i1 to i32
      %cond3A_269 = arith.constant 0 : i32
      %cond3A_270 = arith.cmpi ne, %convert_element_type3A_268, %cond3A_269 : i32
      scf.if %cond3A_270 {
        %add3A_296 = arith.constant 3 : i32
        %add3A_297 = arith.addi %add3A_265, %add3A_296 : i32
        %mul3A_298 = arith.constant 128 : i32
        %mul3A_299 = arith.muli %add3A_297, %mul3A_298 : i32
        %add3A_300 = arith.addi %mul3A_2, %mul3A_299 : i32
        %sub3A_301 = arith.constant 78 : i32
        %sub3A_302 = arith.subi %add3A_297, %sub3A_301 : i32
        %mul3A_303 = arith.constant 128 : i32
        %mul3A_304 = arith.muli %sub3A_302, %mul3A_303 : i32
        %add3A_305 = arith.addi %mul3A_4, %mul3A_304 : i32
        %lt3A_306 = arith.constant 78 : i32
        %lt3A_307 = arith.cmpi slt, %add3A_297, %lt3A_306 : i32
        %convert_element_type3A_308 = arith.extui %lt3A_307 : i1 to i32
        %cond3A_309 = arith.constant 0 : i32
        %cond3A_310 = arith.cmpi ne, %convert_element_type3A_308, %cond3A_309 : i32
        scf.if %cond3A_310 {
          %dma_start3A_316 = tpu.memref_slice %arg2[%add3A_300] : memref<320000xi32, #tpu.memory_space<hbm>> -> memref<128xi32, #tpu.memory_space<hbm>>
          %dma_start3A_317 = tpu.memref_slice %arg2[%add3A_300] : memref<320000xi32, #tpu.memory_space<hbm>> -> memref<128xi32, #tpu.memory_space<hbm>>
          tpu.enqueue_dma source(%dma_start3A_317 : memref<128xi32, #tpu.memory_space<hbm>>) target(%arg15 : memref<128xi32, #tpu.memory_space<vmem>>) target_semaphore(%arg27 : memref<!tpu.dma_semaphore, #tpu.memory_space<semaphore_mem>>)
          %dma_start3A_318 = tpu.memref_slice %arg3[%add3A_300] : memref<320000xi32, #tpu.memory_space<hbm>> -> memref<128xi32, #tpu.memory_space<hbm>>
          %dma_start3A_319 = tpu.memref_slice %arg3[%add3A_300] : memref<320000xi32, #tpu.memory_space<hbm>> -> memref<128xi32, #tpu.memory_space<hbm>>
          tpu.enqueue_dma source(%dma_start3A_319 : memref<128xi32, #tpu.memory_space<hbm>>) target(%arg16 : memref<128xi32, #tpu.memory_space<vmem>>) target_semaphore(%arg27 : memref<!tpu.dma_semaphore, #tpu.memory_space<semaphore_mem>>)
        } else {
        }
        %ge3A_311 = arith.constant 78 : i32
        %ge3A_312 = arith.cmpi sge, %add3A_297, %ge3A_311 : i32
        %convert_element_type3A_313 = arith.extui %ge3A_312 : i1 to i32
        %cond3A_314 = arith.constant 0 : i32
        %cond3A_315 = arith.cmpi ne, %convert_element_type3A_313, %cond3A_314 : i32
        scf.if %cond3A_315 {
          %dma_start3A_316 = tpu.memref_slice %arg4[%add3A_305] : memref<8192xi32, #tpu.memory_space<hbm>> -> memref<128xi32, #tpu.memory_space<hbm>>
          %dma_start3A_317 = tpu.memref_slice %arg4[%add3A_305] : memref<8192xi32, #tpu.memory_space<hbm>> -> memref<128xi32, #tpu.memory_space<hbm>>
          tpu.enqueue_dma source(%dma_start3A_317 : memref<128xi32, #tpu.memory_space<hbm>>) target(%arg15 : memref<128xi32, #tpu.memory_space<vmem>>) target_semaphore(%arg27 : memref<!tpu.dma_semaphore, #tpu.memory_space<semaphore_mem>>)
          %dma_start3A_318 = tpu.memref_slice %arg5[%add3A_305] : memref<8192xi32, #tpu.memory_space<hbm>> -> memref<128xi32, #tpu.memory_space<hbm>>
          %dma_start3A_319 = tpu.memref_slice %arg5[%add3A_305] : memref<8192xi32, #tpu.memory_space<hbm>> -> memref<128xi32, #tpu.memory_space<hbm>>
          tpu.enqueue_dma source(%dma_start3A_319 : memref<128xi32, #tpu.memory_space<hbm>>) target(%arg16 : memref<128xi32, #tpu.memory_space<vmem>>) target_semaphore(%arg27 : memref<!tpu.dma_semaphore, #tpu.memory_space<semaphore_mem>>)
        } else {
        }
      } else {
      }
      %get3A_271 = arith.constant 0 : index
      %get3A_272 = tpu.vector_load %arg18[%get3A_271] {strides = array<i32>} : memref<128xi32, #tpu.memory_space<vmem>>, vector<16xi32>,
      tpu.vector_store_idx %arg21[%get3A_272], %broadcast_in_dim3A_5 {add = true} : memref<10240xf32, #tpu.memory_space<vmem>>[vector<16xi32>], vector<16xf32>,
      %get3A_273 = arith.constant 16 : index
      %get3A_274 = tpu.vector_load %arg18[%get3A_273] {strides = array<i32>} : memref<128xi32, #tpu.memory_space<vmem>>, vector<16xi32>,
      tpu.vector_store_idx %arg21[%get3A_274], %broadcast_in_dim3A_5 {add = true} : memref<10240xf32, #tpu.memory_space<vmem>>[vector<16xi32>], vector<16xf32>,
      %get3A_275 = arith.constant 32 : index
      %get3A_276 = tpu.vector_load %arg18[%get3A_275] {strides = array<i32>} : memref<128xi32, #tpu.memory_space<vmem>>, vector<16xi32>,
      tpu.vector_store_idx %arg21[%get3A_276], %broadcast_in_dim3A_5 {add = true} : memref<10240xf32, #tpu.memory_space<vmem>>[vector<16xi32>], vector<16xf32>,
      %get3A_277 = arith.constant 48 : index
      %get3A_278 = tpu.vector_load %arg18[%get3A_277] {strides = array<i32>} : memref<128xi32, #tpu.memory_space<vmem>>, vector<16xi32>,
      tpu.vector_store_idx %arg21[%get3A_278], %broadcast_in_dim3A_5 {add = true} : memref<10240xf32, #tpu.memory_space<vmem>>[vector<16xi32>], vector<16xf32>,
      %get3A_279 = arith.constant 64 : index
      %get3A_280 = tpu.vector_load %arg18[%get3A_279] {strides = array<i32>} : memref<128xi32, #tpu.memory_space<vmem>>, vector<16xi32>,
      tpu.vector_store_idx %arg21[%get3A_280], %broadcast_in_dim3A_5 {add = true} : memref<10240xf32, #tpu.memory_space<vmem>>[vector<16xi32>], vector<16xf32>,
      %get3A_281 = arith.constant 80 : index
      %get3A_282 = tpu.vector_load %arg18[%get3A_281] {strides = array<i32>} : memref<128xi32, #tpu.memory_space<vmem>>, vector<16xi32>,
      tpu.vector_store_idx %arg21[%get3A_282], %broadcast_in_dim3A_5 {add = true} : memref<10240xf32, #tpu.memory_space<vmem>>[vector<16xi32>], vector<16xf32>,
      %get3A_283 = arith.constant 96 : index
      %get3A_284 = tpu.vector_load %arg18[%get3A_283] {strides = array<i32>} : memref<128xi32, #tpu.memory_space<vmem>>, vector<16xi32>,
      tpu.vector_store_idx %arg21[%get3A_284], %broadcast_in_dim3A_5 {add = true} : memref<10240xf32, #tpu.memory_space<vmem>>[vector<16xi32>], vector<16xf32>,
      %get3A_285 = arith.constant 112 : index
      %get3A_286 = tpu.vector_load %arg18[%get3A_285] {strides = array<i32>} : memref<128xi32, #tpu.memory_space<vmem>>, vector<16xi32>,
      tpu.vector_store_idx %arg21[%get3A_286], %broadcast_in_dim3A_5 {add = true} : memref<10240xf32, #tpu.memory_space<vmem>>[vector<16xi32>], vector<16xf32>,
      %dma_wait3A_287 = arith.constant 0 : i32
      %dma_wait3A_288 = arith.constant 0 : i32
      %dma_wait3A_289 = tpu.memref_slice %arg22[%dma_wait3A_287, %dma_wait3A_288] : memref<10240x128xf32, #tpu.memory_space<vmem_shared>> -> memref<10240x128xf32, #tpu.memory_space<vmem_shared>>
      tpu.wait_indirect_dma semaphore(%arg29 : memref<!tpu.dma_semaphore, #tpu.memory_space<semaphore_mem>>) src(%arg20 : memref<128x128xf32, #tpu.memory_space<vmem>>) dst(%dma_wait3A_289 : memref<10240x128xf32, #tpu.memory_space<vmem_shared>>)
      %lt3A_290 = arith.constant 78 : i32
      %lt3A_291 = arith.cmpi slt, %add3A_265, %lt3A_290 : i32
      %convert_element_type3A_292 = arith.extui %lt3A_291 : i1 to i32
      %cond3A_293 = arith.constant 0 : i32
      %cond3A_294 = arith.cmpi ne, %convert_element_type3A_292, %cond3A_293 : i32
      scf.if %cond3A_294 {
        %add3A_296 = arith.constant 2 : i32
        %add3A_297 = arith.addi %add3A_265, %add3A_296 : i32
        %mul3A_298 = arith.constant 128 : i32
        %mul3A_299 = arith.muli %add3A_297, %mul3A_298 : i32
        %add3A_300 = arith.addi %mul3A_2, %mul3A_299 : i32
        %sub3A_301 = arith.constant 78 : i32
        %sub3A_302 = arith.subi %add3A_297, %sub3A_301 : i32
        %mul3A_303 = arith.constant 128 : i32
        %mul3A_304 = arith.muli %sub3A_302, %mul3A_303 : i32
        %add3A_305 = arith.addi %mul3A_4, %mul3A_304 : i32
        %lt3A_306 = arith.constant 78 : i32
        %lt3A_307 = arith.cmpi slt, %add3A_297, %lt3A_306 : i32
        %convert_element_type3A_308 = arith.extui %lt3A_307 : i1 to i32
        %cond3A_309 = arith.constant 0 : i32
        %cond3A_310 = arith.cmpi ne, %convert_element_type3A_308, %cond3A_309 : i32
        scf.if %cond3A_310 {
          %dma_wait3A_319 = tpu.memref_slice %arg2[%add3A_300] : memref<320000xi32, #tpu.memory_space<hbm>> -> memref<128xi32, #tpu.memory_space<hbm>>
          %dma_wait3A_320 = tpu.memref_slice %arg2[%add3A_300] : memref<320000xi32, #tpu.memory_space<hbm>> -> memref<128xi32, #tpu.memory_space<hbm>>
          tpu.wait_dma2 semaphore(%arg26 : memref<!tpu.dma_semaphore, #tpu.memory_space<semaphore_mem>>) src(%dma_wait3A_320 : memref<128xi32, #tpu.memory_space<hbm>>) dst(%arg13 : memref<128xi32, #tpu.memory_space<vmem>>)
          %dma_wait3A_321 = tpu.memref_slice %arg3[%add3A_300] : memref<320000xi32, #tpu.memory_space<hbm>> -> memref<128xi32, #tpu.memory_space<hbm>>
          %dma_wait3A_322 = tpu.memref_slice %arg3[%add3A_300] : memref<320000xi32, #tpu.memory_space<hbm>> -> memref<128xi32, #tpu.memory_space<hbm>>
          tpu.wait_dma2 semaphore(%arg26 : memref<!tpu.dma_semaphore, #tpu.memory_space<semaphore_mem>>) src(%dma_wait3A_322 : memref<128xi32, #tpu.memory_space<hbm>>) dst(%arg14 : memref<128xi32, #tpu.memory_space<vmem>>)
        } else {
        }
        %ge3A_311 = arith.constant 78 : i32
        %ge3A_312 = arith.cmpi sge, %add3A_297, %ge3A_311 : i32
        %convert_element_type3A_313 = arith.extui %ge3A_312 : i1 to i32
        %cond3A_314 = arith.constant 0 : i32
        %cond3A_315 = arith.cmpi ne, %convert_element_type3A_313, %cond3A_314 : i32
        scf.if %cond3A_315 {
          %dma_wait3A_319 = tpu.memref_slice %arg4[%add3A_305] : memref<8192xi32, #tpu.memory_space<hbm>> -> memref<128xi32, #tpu.memory_space<hbm>>
          %dma_wait3A_320 = tpu.memref_slice %arg4[%add3A_305] : memref<8192xi32, #tpu.memory_space<hbm>> -> memref<128xi32, #tpu.memory_space<hbm>>
          tpu.wait_dma2 semaphore(%arg26 : memref<!tpu.dma_semaphore, #tpu.memory_space<semaphore_mem>>) src(%dma_wait3A_320 : memref<128xi32, #tpu.memory_space<hbm>>) dst(%arg13 : memref<128xi32, #tpu.memory_space<vmem>>)
          %dma_wait3A_321 = tpu.memref_slice %arg5[%add3A_305] : memref<8192xi32, #tpu.memory_space<hbm>> -> memref<128xi32, #tpu.memory_space<hbm>>
          %dma_wait3A_322 = tpu.memref_slice %arg5[%add3A_305] : memref<8192xi32, #tpu.memory_space<hbm>> -> memref<128xi32, #tpu.memory_space<hbm>>
          tpu.wait_dma2 semaphore(%arg26 : memref<!tpu.dma_semaphore, #tpu.memory_space<semaphore_mem>>) src(%dma_wait3A_322 : memref<128xi32, #tpu.memory_space<hbm>>) dst(%arg14 : memref<128xi32, #tpu.memory_space<vmem>>)
        } else {
        }
        %dma_start3A_316 = arith.constant 0 : i32
        %dma_start3A_317 = arith.constant 0 : i32
        %dma_start3A_318 = tpu.memref_slice %arg6[%dma_start3A_316, %dma_start3A_317] : memref<10000x128xf32, #tpu.memory_space<hbm>> -> memref<10000x128xf32, #tpu.memory_space<hbm>>
        tpu.enqueue_indirect_dma source(%dma_start3A_318 : memref<10000x128xf32, #tpu.memory_space<hbm>>) target(%arg20 : memref<128x128xf32, #tpu.memory_space<vmem>>) offsets(%arg13 : memref<128xi32, #tpu.memory_space<vmem>>) semaphore(%arg24 : memref<!tpu.dma_semaphore, #tpu.memory_space<semaphore_mem>>)
      } else {
      }
      %scan3A_295 = arith.constant 0 : i32
      scf.yield %scan3A_295 : i32
    }
    %scan3A_128 = arith.constant 20 : i32
    %barrier3A_129 = arith.constant 0 : index
    tpu.barrier barrier_id(%barrier3A_129)
    %scan3A_130 = arith.constant 0 : i32
    %scan3A_131 = arith.constant 0 : i32
    %scan3A_132 = arith.constant 5 : i32
    %scan3A_133 = arith.addi %scan3A_131, %scan3A_132 : i32
    %scan3A_134 = arith.constant 1 : i32
    %scan3A_135 = scf.for %scan3A_139 = %scan3A_131 to %scan3A_133 step %scan3A_134 iter_args(%scan3A_140 = %scan3A_130) -> (i32)  : i32 {
      %mul3A_141 = arith.constant 640 : i32
      %mul3A_142 = arith.muli %arg1, %mul3A_141 : i32
      %mul3A_143 = arith.constant 128 : i32
      %mul3A_144 = arith.muli %scan3A_139, %mul3A_143 : i32
      %add3A_145 = arith.addi %mul3A_142, %mul3A_144 : i32
      "tpu.region"() ({
        %run_scoped3A = tpu.sem_alloc : memref<!tpu.dma_semaphore, #tpu.memory_space<semaphore_mem>>
        %dma_start3A_150 = arith.constant 0 : i32
        %dma_start3A_151 = tpu.memref_slice %arg22[%add3A_145, %dma_start3A_150] : memref<10240x128xf32, #tpu.memory_space<vmem_shared>> -> memref<128x128xf32, #tpu.memory_space<vmem_shared>>
        %dma_start3A_152 = arith.constant 0 : i32
        %dma_start3A_153 = tpu.memref_slice %arg22[%add3A_145, %dma_start3A_152] : memref<10240x128xf32, #tpu.memory_space<vmem_shared>> -> memref<128x128xf32, #tpu.memory_space<vmem_shared>>
        tpu.enqueue_dma source(%dma_start3A_153 : memref<128x128xf32, #tpu.memory_space<vmem_shared>>) target(%arg19 : memref<128x128xf32, #tpu.memory_space<vmem>>) target_semaphore(%run_scoped3A : memref<!tpu.dma_semaphore, #tpu.memory_space<semaphore_mem>>)
        %dma_wait3A = arith.constant 0 : i32
        %dma_wait3A_154 = tpu.memref_slice %arg22[%add3A_145, %dma_wait3A] : memref<10240x128xf32, #tpu.memory_space<vmem_shared>> -> memref<128x128xf32, #tpu.memory_space<vmem_shared>>
        %dma_wait3A_155 = arith.constant 0 : i32
        %dma_wait3A_156 = tpu.memref_slice %arg22[%add3A_145, %dma_wait3A_155] : memref<10240x128xf32, #tpu.memory_space<vmem_shared>> -> memref<128x128xf32, #tpu.memory_space<vmem_shared>>
        tpu.wait_dma2 semaphore(%run_scoped3A : memref<!tpu.dma_semaphore, #tpu.memory_space<semaphore_mem>>) src(%dma_wait3A_156 : memref<128x128xf32, #tpu.memory_space<vmem_shared>>) dst(%arg19 : memref<128x128xf32, #tpu.memory_space<vmem>>)
        tpu.yield
      }) : () -> ()
      %mul3A_146 = arith.constant 10240 : i32
      %mul3A_147 = arith.muli %arg0, %mul3A_146 : i32
      %add3A_148 = arith.addi %mul3A_147, %add3A_145 : i32
      "tpu.region"() ({
        %run_scoped3A = tpu.sem_alloc : memref<!tpu.dma_semaphore, #tpu.memory_space<semaphore_mem>>
        %dma_start3A_150 = arith.constant 0 : i32
        %dma_start3A_151 = tpu.memref_slice %arg9[%add3A_148, %dma_start3A_150] : memref<20480x128xf32, #tpu.memory_space<hbm>> -> memref<128x128xf32, #tpu.memory_space<hbm>>
        %dma_start3A_152 = arith.constant 0 : i32
        %dma_start3A_153 = tpu.memref_slice %arg9[%add3A_148, %dma_start3A_152] : memref<20480x128xf32, #tpu.memory_space<hbm>> -> memref<128x128xf32, #tpu.memory_space<hbm>>
        tpu.enqueue_dma source(%arg19 : memref<128x128xf32, #tpu.memory_space<vmem>>) target(%dma_start3A_153 : memref<128x128xf32, #tpu.memory_space<hbm>>) target_semaphore(%run_scoped3A : memref<!tpu.dma_semaphore, #tpu.memory_space<semaphore_mem>>)
        %dma_wait3A = arith.constant 0 : i32
        %dma_wait3A_154 = tpu.memref_slice %arg9[%add3A_148, %dma_wait3A] : memref<20480x128xf32, #tpu.memory_space<hbm>> -> memref<128x128xf32, #tpu.memory_space<hbm>>
        %dma_wait3A_155 = arith.constant 0 : i32
        %dma_wait3A_156 = tpu.memref_slice %arg9[%add3A_148, %dma_wait3A_155] : memref<20480x128xf32, #tpu.memory_space<hbm>> -> memref<128x128xf32, #tpu.memory_space<hbm>>
        tpu.wait_dma2 semaphore(%run_scoped3A : memref<!tpu.dma_semaphore, #tpu.memory_space<semaphore_mem>>) src(%arg19 : memref<128x128xf32, #tpu.memory_space<vmem>>) dst(%dma_wait3A_156 : memref<128x128xf32, #tpu.memory_space<hbm>>)
        tpu.yield
      }) : () -> ()
      %scan3A_149 = arith.constant 0 : i32
      scf.yield %scan3A_149 : i32
    }
    %scan3A_136 = arith.constant 5 : i32
    %mul3A_137 = arith.constant 10240 : i32
    %mul3A_138 = arith.muli %add3A, %mul3A_137 : i32
    "tpu.region"() ({
      %run_scoped3A = tpu.sem_alloc : memref<!tpu.dma_semaphore, #tpu.memory_space<semaphore_mem>>
      %dma_start3A_139 = tpu.memref_slice %arg10[%mul3A_138] : memref<327680xf32, #tpu.memory_space<hbm>> -> memref<10240xf32, #tpu.memory_space<hbm>>
      %dma_start3A_140 = tpu.memref_slice %arg10[%mul3A_138] : memref<327680xf32, #tpu.memory_space<hbm>> -> memref<10240xf32, #tpu.memory_space<hbm>>
      tpu.enqueue_dma source(%arg21 : memref<10240xf32, #tpu.memory_space<vmem>>) target(%dma_start3A_140 : memref<10240xf32, #tpu.memory_space<hbm>>) target_semaphore(%run_scoped3A : memref<!tpu.dma_semaphore, #tpu.memory_space<semaphore_mem>>)
      %dma_wait3A = tpu.memref_slice %arg10[%mul3A_138] : memref<327680xf32, #tpu.memory_space<hbm>> -> memref<10240xf32, #tpu.memory_space<hbm>>
      %dma_wait3A_141 = tpu.memref_slice %arg10[%mul3A_138] : memref<327680xf32, #tpu.memory_space<hbm>> -> memref<10240xf32, #tpu.memory_space<hbm>>
      tpu.wait_dma2 semaphore(%run_scoped3A : memref<!tpu.dma_semaphore, #tpu.memory_space<semaphore_mem>>) src(%arg21 : memref<10240xf32, #tpu.memory_space<vmem>>) dst(%dma_wait3A_141 : memref<10240xf32, #tpu.memory_space<hbm>>)
      tpu.yield
    }) : () -> ()
    return
  }
}

module attributes {stable_mosaic.version = 14 : i64} {
  func.func @_tc_body(%arg0: i32, %arg1: memref<2x1024x128xf32, #tpu.memory_space<vmem>>, %arg2: memref<32x1024xf32, #tpu.memory_space<vmem>>, %arg3: memref<128x128xf32, #tpu.memory_space<vmem>>, %arg4: memref<128x128xf32, #tpu.memory_space<vmem>>, %arg5: memref<1024x128xf32, #tpu.memory_space<vmem>>) attributes {dimension_semantics = [#tpu.dimension_semantics<arbitrary>], iteration_bounds = array<i64: 10>, scalar_prefetch = 0 : i64, scratch_operands = 0 : i64, tpu.core_type = #tpu.core_type<tc>, window_params = [{transform_indices = @transform_0, window_bounds = array<i64: 2, 1024, 128>}, {transform_indices = @transform_1, window_bounds = array<i64: 32, 1024>}, {pipeline_mode = #tpu.pipeline_mode<synchronous>, transform_indices = @transform_2, window_bounds = array<i64: 128, 128>}, {pipeline_mode = #tpu.pipeline_mode<synchronous>, transform_indices = @transform_3, window_bounds = array<i64: 128, 128>}, {transform_indices = @transform_4, window_bounds = array<i64: 1024, 128>}]} {
    %get3A = arith.constant 0 : index
    %get3A_0 = arith.constant 0 : index
    %get3A_1 = arith.constant 0 : index
    %get3A_2 = vector.load %arg1[%get3A, %get3A_0, %get3A_1] : memref<2x1024x128xf32, #tpu.memory_space<vmem>>, vector<1x1024x128xf32>
    %get3A_3 = vector.shape_cast %get3A_2 : vector<1x1024x128xf32> to vector<1024x128xf32>
    %get3A_4 = arith.constant 1 : index
    %get3A_5 = arith.constant 0 : index
    %get3A_6 = arith.constant 0 : index
    %get3A_7 = vector.load %arg1[%get3A_4, %get3A_5, %get3A_6] : memref<2x1024x128xf32, #tpu.memory_space<vmem>>, vector<1x1024x128xf32>
    %get3A_8 = vector.shape_cast %get3A_7 : vector<1x1024x128xf32> to vector<1024x128xf32>
    %add3A = arith.addf %get3A_3, %get3A_8 : vector<1024x128xf32>
    %get3A_9 = arith.constant 0 : index
    %get3A_10 = arith.constant 0 : index
    %get3A_11 = vector.load %arg2[%get3A_9, %get3A_10] : memref<32x1024xf32, #tpu.memory_space<vmem>>, vector<32x1024xf32>
    %reduce_sum3A = arith.constant dense<0.000000e+00> : vector<1024xf32>
    %reduce_sum3A_12 = vector.multi_reduction <add>, %get3A_11, %reduce_sum3A [0] : vector<32x1024xf32> to vector<1024xf32>
    %max3A = arith.constant 1.000000e+00 : f32
    %max3A_13 = vector.broadcast %max3A : f32 to vector<1024xf32>
    %max3A_14 = arith.maximumf %reduce_sum3A_12, %max3A_13 : vector<1024xf32>
    %div3A = arith.constant 1.000000e+00 : f32
    %div3A_15 = vector.broadcast %div3A : f32 to vector<1024xf32>
    %div3A_16 = arith.divf %div3A_15, %max3A_14 : vector<1024xf32>
    %broadcast_in_dim3A = vector.shape_cast %div3A_16 : vector<1024xf32> to vector<1024x1xf32>
    %mul3A = vector.broadcast %broadcast_in_dim3A : vector<1024x1xf32> to vector<1024x128xf32>
    %mul3A_17 = arith.mulf %add3A, %mul3A : vector<1024x128xf32>
    %get3A_18 = arith.constant 0 : index
    %get3A_19 = arith.constant 0 : index
    %get3A_20 = vector.load %arg3[%get3A_18, %get3A_19] : memref<128x128xf32, #tpu.memory_space<vmem>>, vector<128x128xf32>
    %dot_general3A = arith.constant dense<0.000000e+00> : vector<1024x128xf32>
    %dot_general3A_21 = tpu.matmul %mul3A_17, %get3A_20, %dot_general3A {dimension_numbers = #tpu.dot_dimension_numbers<[1], [0], [0], [1], [0, 0, 1, 1], [], []>, transpose_lhs_hint = false} : vector<1024x128xf32>, vector<128x128xf32>, vector<1024x128xf32> -> vector<1024x128xf32>
    %max3A_22 = arith.constant 0.000000e+00 : f32
    %max3A_23 = vector.broadcast %max3A_22 : f32 to vector<1024x128xf32>
    %max3A_24 = arith.maximumf %dot_general3A_21, %max3A_23 : vector<1024x128xf32>
    %get3A_25 = arith.constant 0 : index
    %get3A_26 = arith.constant 0 : index
    %get3A_27 = vector.load %arg4[%get3A_25, %get3A_26] : memref<128x128xf32, #tpu.memory_space<vmem>>, vector<128x128xf32>
    %dot_general3A_28 = arith.constant dense<0.000000e+00> : vector<1024x128xf32>
    %dot_general3A_29 = tpu.matmul %mul3A_17, %get3A_27, %dot_general3A_28 {dimension_numbers = #tpu.dot_dimension_numbers<[1], [0], [0], [1], [0, 0, 1, 1], [], []>, transpose_lhs_hint = false} : vector<1024x128xf32>, vector<128x128xf32>, vector<1024x128xf32> -> vector<1024x128xf32>
    %max3A_30 = arith.constant 0.000000e+00 : f32
    %max3A_31 = vector.broadcast %max3A_30 : f32 to vector<1024x128xf32>
    %max3A_32 = arith.maximumf %dot_general3A_29, %max3A_31 : vector<1024x128xf32>
    %add3A_33 = arith.addf %max3A_24, %max3A_32 : vector<1024x128xf32>
    %mul3A_34 = arith.constant 5.000000e-01 : f32
    %mul3A_35 = vector.broadcast %mul3A_34 : f32 to vector<1024x128xf32>
    %mul3A_36 = arith.mulf %mul3A_35, %add3A_33 : vector<1024x128xf32>
    %swap3A = arith.constant 0 : index
    %swap3A_37 = arith.constant 0 : index
    %swap3A_38 = vector.load %arg5[%swap3A, %swap3A_37] : memref<1024x128xf32, #tpu.memory_space<vmem>>, vector<1024x128xf32>
    tpu.vector_store %arg5[%swap3A, %swap3A_37], %mul3A_36 {strides = array<i32>} : memref<1024x128xf32, #tpu.memory_space<vmem>>, vector<1024x128xf32>,
    return
  }
  func.func @transform_0(%arg0: i32) -> (i32, i32, i32) {
    %c0_i32 = arith.constant 0 : i32
    %c0_i32_0 = arith.constant 0 : i32
    %c0_i32_1 = arith.constant 0 : i32
    return %c0_i32, %arg0, %c0_i32_0 : i32, i32, i32
  }
  func.func @transform_1(%arg0: i32) -> (i32, i32) {
    %c0_i32 = arith.constant 0 : i32
    %c0_i32_0 = arith.constant 0 : i32
    return %c0_i32, %arg0 : i32, i32
  }
  func.func @transform_2(%arg0: i32) -> (i32, i32) {
    %c0_i32 = arith.constant 0 : i32
    %c0_i32_0 = arith.constant 0 : i32
    %c0_i32_1 = arith.constant 0 : i32
    return %c0_i32, %c0_i32_0 : i32, i32
  }
  func.func @transform_3(%arg0: i32) -> (i32, i32) {
    %c0_i32 = arith.constant 0 : i32
    %c0_i32_0 = arith.constant 0 : i32
    %c0_i32_1 = arith.constant 0 : i32
    return %c0_i32, %c0_i32_0 : i32, i32
  }
  func.func @transform_4(%arg0: i32) -> (i32, i32) {
    %c0_i32 = arith.constant 0 : i32
    %c0_i32_0 = arith.constant 0 : i32
    return %arg0, %c0_i32 : i32, i32
  }
}

</mosaic_0001>

<sc_bundles>
// kernel: kernel.4.cloned.1.call-start
scs
__scs_entry_jumppad:
0x0: {  	(pc) =	sbr.rel $0x88, $3  }
0x1: {  	(tag) =	ssettag $0x0;
	lr =	simm.s32 $0x1  }
0x2: {  	[smem:$0x3F9D] =	sst lr;
	_ =	strace $0xD0000000  }
0x3: {  	_ = 	snop  }
0x4: {  	_ = 	snop  }
0x5: {  	_ = 	snop  }
0x6: {  	_ = 	snop  }
0x7: {  	_ = 	snop  }
__scs_overlays_trampoline_lowered:
0x8: {  	[smem:$0x3FAC] =	sst s0  }
0x9: {  	[smem:$0x3FAD] =	sst s1  }
0xa: {  	[smem:$0x3FAE] =	sst s2  }
0xb: {  	[smem:$0x3FAF] =	sst s3  }
0xc: {  	[smem:$0x3FB0] =	sst s4  }
0xd: {  	[smem:$0x3FB1] =	sst s5  }
0xe: {  	[smem:$0x3FB2] =	sst s6  }
0xf: {  	[smem:$0x3FB3] =	sst s7  }
0x10: {  	[smem:$0x3FB4] =	sst s8  }
0x11: {  	[smem:$0x3FB5] =	sst s9;
	s0 =	simm.s32 @!p0 $0x0  }
0x12: {  	s1 =	sld [smem:$0x3F9B];
	s0 =	simm.s32 @p0 $0x1  }
0x13: {  	[smem:$0x3FB6] =	sst s0;
	s0 =	simm.s32 @!p1 $0x0  }
0x14: {  	s2 =	sld [smem:$0x3F9A];
	s0 =	simm.s32 @p1 $0x1  }
0x15: {  	[smem:$0x3FB7] =	sst s0;
	s0 =	simm.s32 @!p2 $0x0  }
0x16: {  	s3 =	sld [smem:$0x3FDB];
	s0 =	simm.s32 @p2 $0x1  }
0x17: {  	s4 =	simm.s32 $0x1BF5;
	[smem:$0x3FB9] =	sst s0  }
0x18: {  	s0 =	sld [smem:$0x3F9C];
	_ =	swait.ge [sflag:s4], $0x0  }
0x19: {  	s7 =	sld [smem:$0x3F9D]  }
0x1a: {  	s8 =	sadd.s32 $0xFFFFE003, lr  }
0x1b: {  	s9 =	sadd.s32 $0xFFFFFEF7, lr;
	s5 =	simm.s32 $0xFFFFFFFF;
	p2 =	slt.u32 s8, $0xFFFFF086  }
0x1c: {  	p1 =	slt.u32 s9, $0xF7A;
	s5 =	simm.s32 @!p2 $0x0  }
0x1d: {  	s5 =	simm.s32 @p1 $0x1;
	p0 =	seq.s32 s7, s2  }
0x1e: {  	s7 =	smul.u32 @!p0 $0xF7A, s2;
	p2 =	seq.s32 @!p0 s5, $0x0  }
0x1f: {  	s9 =	smul.u32 $0xF7A, s1;
	s8 =	simm.s32 @!p0 $0x1BF5;
	p2 =	por !p2, p0  }
0x20: {  	[sflag:s8] =	ssyncset.s32 @!p0 $0xFFFFF086;
	s6 =	sadd.s32 @!p0 s3, s7;
	s7 =	simm.s32 @!p0 $0x108  }
0x21: {  	s3 =	sadd.s32 s3, s9;
	s6 =	sadd.s32 @!p0 $0x88, s6;
	s7 =	simm.s32 @p2 $0x1082  }
0x22: {  	[simem:s7], [sflag:s8] =	dma.local @!p0 [hbm:s6], $0xF7A  }
0x23: {  	s9 =	sor.u32 $0xD0000000, s2;
	s6 =	simm.s32 $0x108;
	_ =	swait.ge @!p0 [sflag:s8], $0x0  }
0x24: {  	s3 =	sadd.s32 $0x88, s3;
	s6 =	simm.s32 @!p1 $0x1082;
	[sflag:s4] =	ssyncset.s32 $0xFFFFF086  }
0x25: {  	[simem:s6], [sflag:s4] =	dma.local [hbm:s3], $0xF7A  }
0x26: {  	[smem:$0x3F9D] =	sst s1;
	(tag) =	ssettag s2;
	_ =	strace s9  }
0x27: {  	s1 =	sld [smem:$0x3FAD]  }
0x28: {  	s2 =	sld [smem:$0x3FAE]  }
0x29: {  	s4 =	sld [smem:$0x3FB0]  }
0x2a: {  	p0 =	seq.s32 s5, $0x0;
	s5 =	sld [smem:$0x3FB1]  }
0x2b: {  	s6 =	sld [smem:$0x3FB2]  }
0x2c: {  	s7 =	sld [smem:$0x3FB3]  }
0x2d: {  	s3 =	simm.s32 $0x108;
	s8 =	sld [smem:$0x3FB4]  }
0x2e: {  	s3 =	simm.s32 @!p0 $0x1082;
	s9 =	sld [smem:$0x3FB5]  }
0x2f: {  	lr =	sadd.s32 s0, s3;
	s0 =	sld [smem:$0x3FAC]  }
0x30: {  	s3 =	sld [smem:$0x3FAF]  }
0x31: {  	[smem:$0x3FB8] =	sst s10  }
0x32: {  	s10 =	sld [smem:$0x3FB6];
	_ =	sdelay $0x3  }
0x33: {  	p0 =	seq.s32 s10, $0x1;
	s10 =	sld [smem:$0x3FB8];
	_ =	sdelay $0x3  }
0x34: {  	[smem:$0x3FB8] =	sst s10  }
0x35: {  	s10 =	sld [smem:$0x3FB7];
	_ =	sdelay $0x3  }
0x36: {  	p1 =	seq.s32 s10, $0x1;
	s10 =	sld [smem:$0x3FB8];
	_ =	sdelay $0x3  }
0x37: {  	[smem:$0x3FB8] =	sst s10  }
0x38: {  	s10 =	sld [smem:$0x3FB9]  }
0x39: {  	_ = 	snop;
	(pc) =	sbr.ind lr, $3  }
0x3a: {  	_ = 	snop  }
0x3b: {  	_ = 	snop  }
0x3c: {  	p2 =	seq.s32 s10, $0x1;
	s10 =	sld [smem:$0x3FB8]  }
0x3d: {  	_ =	shalt  }
0x3e: {  	_ =	shalt  }
0x3f: {  	_ =	shalt  }
0x40: {  	_ =	shalt  }
0x41: {  	_ =	shalt  }
0x42: {  	_ =	shalt  }
0x43: {  	_ =	shalt  }
0x44: {  	_ =	shalt  }
0x45: {  	_ =	shalt  }
0x46: {  	_ =	shalt  }
0x47: {  	_ =	shalt  }
0x48: {  	_ =	shalt  }
0x49: {  	_ =	shalt  }
0x4a: {  	_ =	shalt  }
0x4b: {  	_ =	shalt  }
0x4c: {  	_ =	shalt  }
0x4d: {  	_ =	shalt  }
0x4e: {  	_ =	shalt  }
0x4f: {  	_ =	shalt  }
0x50: {  	_ =	shalt  }
0x51: {  	_ =	shalt  }
0x52: {  	_ =	shalt  }
0x53: {  	_ =	shalt  }
0x54: {  	_ =	shalt  }
0x55: {  	_ =	shalt  }
0x56: {  	_ =	shalt  }
0x57: {  	_ =	shalt  }
0x58: {  	_ =	shalt  }
0x59: {  	_ =	shalt  }
0x5a: {  	_ =	shalt  }
0x5b: {  	_ =	shalt  }
0x5c: {  	_ =	shalt  }
0x5d: {  	_ =	shalt  }
0x5e: {  	_ =	shalt  }
0x5f: {  	_ =	shalt  }
0x60: {  	_ =	shalt  }
0x61: {  	_ =	shalt  }
0x62: {  	_ =	shalt  }
0x63: {  	_ =	shalt  }
0x64: {  	_ =	shalt  }
0x65: {  	_ =	shalt  }
0x66: {  	_ =	shalt  }
0x67: {  	_ =	shalt  }
0x68: {  	_ =	shalt  }
0x69: {  	_ =	shalt  }
0x6a: {  	_ =	shalt  }
0x6b: {  	_ =	shalt  }
0x6c: {  	_ =	shalt  }
0x6d: {  	_ =	shalt  }
0x6e: {  	_ =	shalt  }
0x6f: {  	_ =	shalt  }
0x70: {  	_ =	shalt  }
0x71: {  	_ =	shalt  }
0x72: {  	_ =	shalt  }
0x73: {  	_ =	shalt  }
0x74: {  	_ =	shalt  }
0x75: {  	_ =	shalt  }
0x76: {  	_ =	shalt  }
0x77: {  	_ =	shalt  }
0x78: {  	_ =	shalt  }
0x79: {  	_ =	shalt  }
0x7a: {  	_ =	shalt  }
0x7b: {  	_ =	shalt  }
0x7c: {  	_ =	shalt  }
0x7d: {  	_ =	shalt  }
0x7e: {  	_ =	shalt  }
0x7f: {  	_ =	shalt  }
0x80: {  	_ =	shalt  }
0x81: {  	_ =	shalt  }
0x82: {  	_ =	shalt  }
0x83: {  	_ =	shalt  }
0x84: {  	_ =	shalt  }
0x85: {  	_ =	shalt  }
0x86: {  	_ =	shalt  }
0x87: {  	_ =	shalt  }
.Lfunc_end0:
.L_simem_size_0:
called_computation_lowered:
.L_overlay_start_0:
0x88: {  	s2 =	sld [smem:$0x3FD9]  }
0x89: {  	s3 =	sld [smem:$0x3FFE];
	_ =	sdelay $0x1  }
0x8a: {  	s1 =	srdreg.scid  }
0x8b: {  	s0 =	sand.u32 $0x1, s1  }
0x8c: {  	s17 =	sshll.u32 s0, $0xA;
	s2 =	sadd.s32 s3, s2  }
0x8d: {  	s2 =	sadd.s32 s2, s17  }
0x8e: {  	[smem:$0x3FC4] =	sst s2  }
0x8f: {  	_ = 	snop  }
0x90: {  	s2 =	sld [smem:$0x3FC8]  }
0x91: {  	s18 =	sld [smem:$0x3FD0];
	(tm) =	ssettm $0x1  }
0x92: {  	s4 =	sld [smem:$0x3FFB];
	_ =	sdelay $0x3  }
0x93: {  	_ =	strace s4  }
0x94: {  	s4 =	sld [smem:$0x3FFC];
	_ =	sdelay $0x3  }
0x95: {  	_ =	strace s4  }
0x96: {  	s4 =	sld [smem:$0x3FFD];
	_ =	sdelay $0x3  }
0x97: {  	_ =	strace s4  }
0x98: {  	_ =	strace $0x8FFFFFFF  }
0x99: {  	s19 =	sld [smem:$0x3FDB];
	_ =	sdelay $0x1  }
0x9a: {  	s5 =	simm.s32 $_scs_section_size  }
0x9b: {  	s6 =	simm.s32 $_size__tile_overlayer_lowered;
	s7 =	simm.s32 $_tile_overlayer_lowered  }
0x9c: {  	s22 =	simm.s32 $0x1BFF;
	s21 =	sshll.u32 s7, $0x1;
	s4 =	sadd.s32 s5, s19  }
0x9d: {  	s8 =	simm.s32 $0x0;
	s20 =	sshll.u32 s6, $0x1;
	s6 =	sadd.s32 s21, s4  }
0x9e: {  	[timem:s8], [sflag:s22] =	dma.local [hbm:s6], s20  }
0x9f: {  	_ =	swait.ge [sflag:s22], s20  }
0xa0: {  	s5 =	ssub.s32 $0x0, s20;
	[sflag:s22] =	ssyncset.done $0x0  }
0xa1: {  	[sflag:s22] =	ssyncadd.s32 s5;
	_ =	sdelay $0x1  }
0xa2: {  	s23 =	simm.s32 $0x1B8B  }
0xa3: {  	_ =	swait.ge [sflag:s23], $0x1  }
0xa4: {  	[sflag:s23] =	ssyncset.done $0x0  }
0xa5: {  	s25 =	simm.s32 $0x1B8E;
	s24 =	sld [smem:$0x3FFE];
	[sflag:s23] =	ssyncadd.s32 $0xFFFFFFFF  }
0xa6: {  	s26 =	simm.s32 $execute0_lowered;
	[smem:$0x3FD2] =	sst s25  }
0xa7: {  	s6 =	sshll.u32 s26, $0x1;
	_ =	strace $0x80000046;
	[dreg:$0x1] =	wrdreg $0xFFFFFFFF  }
0xa8: {  	s28 =	simm.s32 $_size_execute0_lowered;
	s4 =	sadd.s32 s4, s6;
	[dreg:$0x0] =	wrdreg $0x0  }
0xa9: {  	s6 =	sshll.u32 s28, $0x1;
	[dreg:$0x2] =	wrdreg s4  }
0xaa: {  	[dreg:$0x3] =	wrdreg s6  }
0xab: {  	[dreg:$0x4] =	wrdreg $0xC0  }
0xac: {  	_ =	task [dreg:s8], $0x5FFFF  }
0xad: {  	[dreg:$0x1] =	wrdreg $0xFFFFFFFF  }
0xae: {  	[dreg:$0x0] =	wrdreg $0x60  }
0xaf: {  	[dreg:$0x2] =	wrdreg s24  }
0xb0: {  	[dreg:$0x3] =	wrdreg s2  }
0xb1: {  	[dreg:$0x4] =	wrdreg s18  }
0xb2: {  	[dreg:$0x5] =	wrdreg $0xAC000  }
0xb3: {  	[dreg:$0x6] =	wrdreg $0x9  }
0xb4: {  	_ =	task.clear_ibuf [dreg:s8], $0x7FFFF;
	_ =	strace $0x90000046  }
0xb5: {  	s29 =	simm.s32 $0x9;
	_ =	strace $0x80000048  }
0xb6: {  	_ =	swait.ge [sflag:s29], $0x1  }
0xb7: {  	[sflag:s29] =	ssyncadd.s32 $0xFFFFFFFF  }
0xb8: {  	_ =	strace $0x90000048  }
0xb9: {  	_ =	sfence  }
0xba: {  	s30 =	sld [smem:$0x0];
	_ =	sdelay $0x2  }
0xbb: {  	s31 =	sshll.u32 s1, $0xD;
	s1 =	sshrl.u32 s1, $0x2  }
0xbc: {  	s3 =	sand.u32 $0x4000, s31;
	s1 =	sadd.s32 s1, s30  }
0xbd: {  	s0 =	sor.u32 s3, s0;
	s1 =	sshll.u32 s1, $0x11  }
0xbe: {  	s0 =	sor.u32 s1, s0  }
0xbf: {  	s0 =	sadd.s32 $0x8F2B, s0  }
0xc0: {  	[sflag:s0] =	ssyncadd.remote.s32 $0x1  }
0xc1: {  	_ =	sfence.sel $0xFFFF  }
0xc2: {  	[dreg:$0x0] =	wrdreg $0xFFFFFFFF;
	(pc) =	sbr.abs _section_cstart, $3  }
0xc3: {  	[dreg:$0x1] =	wrdreg $0xFFFFFFFF  }
0xc4: {  	_ =	task.clear_ibuf [dreg:s8], $0x2FFFF;
	_ =	strace $0x9FFFFFFF  }
0xc5: {  	(tm) =	ssettm $0x7FFFFFFF  }
tec
execute0_lowered:
.L_overlay_start_1:
0x0: {  	(tag) =	ssettag $0x1  }
0x1: {  	s0 =	rddreg [dreg:$0x0]  }
0x2: {  	s1 =	rddreg [dreg:$0x1]  }
0x3: {  	s4 =	rddreg [dreg:$0x2]  }
0x4: {  	s2 =	rddreg [dreg:$0x3]  }
0x5: {  	s3 =	simm.s32 $0x0;
	s6 =	srdreg.scid;
	s20 =	stileid.u32  }
0x6: {  	s28 =	simm.s32 $0x7;
	s29 =	simm.s32 $0x5;
	s30 =	simm.s32 $0x2  }
0x7: {  	[smem:$0x7FF] =	sst s3;
	s5 =	sadd.s32 $0xA800, s0;
	s6 =	sand.u32 $0x1, s6  }
0x8: {  	s9 =	sadd.s32 $0xA00, s0;
	s7 =	sadd.s32 $0x14A00, s0;
	s8 =	sadd.s32 $0x14600, s0  }
0x9: {  	s11 =	sadd.s32 $0x15C00, s0;
	s16 =	smul.u32 $0x280, s20;
	_ =	strace $0x80000047  }
0xa: {  	s10 =	sshll.u32 s6, $0x4;
	s12 =	ssub.s32 $0x2, s6;
	s31 =	smul.u32 $0x2800, s6  }
0xb: {  	s10 =	sor.u32 s20, s10;
	s14 =	sshrl.u32 s12, $0x1;
	s17 =	sadd.s32 $0x100, s16  }
0xc: {  	s13 =	smul.u32 $0x2710, s10;
	s15 =	sshll.u32 s10, $0x8;
	s12 =	ssub.s32 s12, s14  }
0xd: {  	s10 =	smul.u32 $0x500, s10;
	s18 =	sadd.s32 s31, s17;
	s25 =	sadd.s32 $0xFFFFDC00, s15  }
0xe: {  	s23 =	sshll.u32 s18, $0x4;
	s18 =	sadd.s32 $0x15400, s0;
	[dreg:$0x5] =	wrdreg s25  }
0xf: {  	s19 =	sadd.s32 s31, s16;
	s0 =	sadd.s32 $0x14E00, s0;
	[dreg:$0xe] =	wrdreg s18  }
0x10: {  	s26 =	sadd.s32 $0x300, s13;
	s4 =	sadd.s32 s4, s10;
	[dreg:$0xf] =	wrdreg s0  }
0x11: {  	s10 =	sshll.u32 s19, $0x4;
	s25 =	smul.u32 $0x27100, s6;
	[dreg:$0x6] =	wrdreg s26  }
0x12: {  	s19 =	smul.u32 $0x2710, s20;
	s6 =	sshll.u32 s6, $0xC;
	[dreg:$0x8] =	wrdreg s4  }
0x13: {  	s4 =	sadd.s32 $0x80, s16;
	s10 =	sadd.s32 s11, s10;
	s26 =	smul.u32 $0x50000, s20  }
0x14: {  	s21 =	sadd.s32 s31, s4;
	[dreg:$0x9] =	wrdreg s10;
	s10 =	sadd.s32 s11, s23  }
0x15: {  	s14 =	sshll.u32 s21, $0x4;
	[dreg:$0xb] =	wrdreg s10;
	s10 =	sadd.s32 $0x180, s16  }
0x16: {  	s22 =	sadd.s32 s11, s14;
	s14 =	sadd.s32 $0x200, s16;
	s24 =	sadd.s32 s31, s10  }
0x17: {  	[dreg:$0xa] =	wrdreg s22;
	s15 =	sadd.s32 s31, s14;
	s16 =	sshll.u32 s24, $0x4  }
0x18: {  	s31 =	sshll.u32 s20, $0x8;
	s20 =	sshrl.u32 s13, $0x3;
	s13 =	smax.u32 s12, $0x1  }
0x19: {  	s4 =	sshll.u32 s4, $0x7;
	s16 =	sadd.s32 s11, s16;
	[dreg:$0x17] =	wrdreg s13  }
0x1a: {  	s12 =	simm.s32 $0x8400;
	s21 =	sadd.s32 s5, s20;
	[dreg:$0xc] =	wrdreg s16  }
0x1b: {  	s15 =	sshll.u32 s15, $0x4;
	s22 =	sadd.s32 s9, s20;
	[dreg:$0x11] =	wrdreg s21  }
0x1c: {  	s6 =	sor.u32 s31, s6;
	s11 =	sadd.s32 s11, s15;
	[dreg:$0x12] =	wrdreg s22  }
0x1d: {  	s23 =	sadd.s32 $0x10, s20;
	s6 =	sadd.s32 $0xFFFFDA80, s6;
	[dreg:$0xd] =	wrdreg s11  }
0x1e: {  	s15 =	sadd.s32 s19, s25;
	s25 =	sadd.s32 s5, s23;
	[dreg:$0x7] =	wrdreg s6  }
0x1f: {  	s24 =	sadd.s32 $0x20, s20;
	s0 =	sadd.s32 s9, s23;
	[dreg:$0x13] =	wrdreg s25  }
0x20: {  	s19 =	sshrl.u32 s26, $0x2;
	s26 =	sadd.s32 s5, s24;
	[dreg:$0x14] =	wrdreg s0  }
0x21: {  	s13 =	simm.s32 $0x8;
	s31 =	sadd.s32 s9, s24;
	[dreg:$0x15] =	wrdreg s26  }
0x22: {  	s18 =	sadd.s32 s19, s2;
	[dreg:$0x16] =	wrdreg s31;
	s11 =	sshll.u32 s17, $0x7  }
0x23: {  	s0 =	sadd.s32 s4, s2;
	s17 =	sshll.u32 s10, $0x7;
	s19 =	sshll.u32 s14, $0x7  }
0x24: {  	s20 =	sadd.s32 $0x280, s15;
	s14 =	simm.s32 $0x400;
	[dreg:$0x18] =	wrdreg s0  }
0x25: {  	s4 =	simm.s32 $0x6;
	s16 =	sadd.s32 s11, s2;
	[dreg:$0x10] =	wrdreg s18  }
0x26: {  	s6 =	simm.s32 $0x0;
	s0 =	sadd.s32 s17, s2;
	[dreg:$0x19] =	wrdreg s16  }
0x27: {  	s21 =	sadd.s32 s19, s2;
	s22 =	sshrl.u32 s20, $0x3;
	[dreg:$0x1a] =	wrdreg s0  }
0x28: {  	s24 =	sadd.s32 $0x4000, s18;
	s25 =	sadd.s32 $0x8000, s18;
	[dreg:$0x1b] =	wrdreg s21  }
0x29: {  	s26 =	sadd.s32 $0xC000, s18;
	s31 =	sadd.s32 $0x10000, s18;
	[dreg:$0x1e] =	wrdreg s24  }
0x2a: {  	s19 =	simm.s32 $0x180;
	s20 =	simm.s32 $0x200;
	[dreg:$0x1f] =	wrdreg s25  }
0x2b: {  	s23 =	sadd.s32 s22, s9;
	s0 =	sadd.s32 s22, s5;
	[smem:$0x7FC] =	sst s26  }
0x2c: {  	[smem:$0x7FD] =	sst s31;
	s16 =	simm.s32 $0x80;
	s21 =	simm.s32 $0x280  }
0x2d: {  	s24 =	simm.s32 $0x1;
	s25 =	simm.s32 $0x300;
	[dreg:$0x1c] =	wrdreg s23  }
0x2e: {  	v0 =	vimm.f32 $1.000000000e+00;
	s26 =	simm.s32 $0x380;
	[dreg:$0x1d] =	wrdreg s0;
	s23 =	simm.s32 $0x4400  }
.LBB2_1:
0x2f: {  	[smem:$0x7FB] =	sst s6  }
0x30: {  	s0 =	rddreg [dreg:$0xf]  }
0x31: {  	[tilespmem:s12], [sflag:$0x8] =	stream.linear.gather [hbm4b:s0+s3], $0x2800, $0x38;
	[tilespmem:$0x1EC00] =	vst v63  }
0x32: {  	_ =	swait.ge [sflag:s13], $0x2800  }
0x33: {  	[sflag:s13] =	ssyncset.done $0x0  }
0x34: {  	s22 =	rddreg [dreg:$0xe];
	[sflag:s13] =	ssyncadd.s32 $0xFFFFD800  }
0x35: {  	[tilespmem:s14], [sflag:$0x8] =	stream.linear.gather [hbm4b:s22+s3], $0x4000, $0x38;
	[tilespmem:$0x1EC00] =	vst v63  }
0x36: {  	_ =	swait.ge [sflag:s13], $0x4000  }
0x37: {  	[sflag:s13] =	ssyncset.done $0x0  }
0x38: {  	[sflag:s13] =	ssyncadd.s32 $0xFFFFC000  }
0x39: {  	[spmem:s18] =	stream.linear.scatter [tilespmem:s14], [sflag:$0x8], $0x4000, $0x38;
	[tilespmem:$0x1EC00] =	vst v63  }
0x3a: {  	_ =	swait.ge [sflag:s13], $0x4000  }
0x3b: {  	[sflag:s13] =	ssyncset.done $0x0  }
0x3c: {  	s6 =	rddreg [dreg:$0x1e];
	[sflag:s13] =	ssyncadd.s32 $0xFFFFC000  }
0x3d: {  	[spmem:s6] =	stream.linear.scatter [tilespmem:s14], [sflag:$0x8], $0x4000, $0x38;
	[tilespmem:$0x1EC00] =	vst v63  }
0x3e: {  	_ =	swait.ge [sflag:s13], $0x4000  }
0x3f: {  	[sflag:s13] =	ssyncset.done $0x0  }
0x40: {  	s10 =	rddreg [dreg:$0x1f];
	[sflag:s13] =	ssyncadd.s32 $0xFFFFC000  }
0x41: {  	[spmem:s10] =	stream.linear.scatter [tilespmem:s14], [sflag:$0x8], $0x4000, $0x38;
	[tilespmem:$0x1EC00] =	vst v63  }
0x42: {  	_ =	swait.ge [sflag:s13], $0x4000  }
0x43: {  	s11 =	sld [smem:$0x7FC]  }
0x44: {  	[sflag:s13] =	ssyncset.done $0x0  }
0x45: {  	[sflag:s13] =	ssyncadd.s32 $0xFFFFC000  }
0x46: {  	[spmem:s11] =	stream.linear.scatter [tilespmem:s14], [sflag:$0x8], $0x4000, $0x38;
	[tilespmem:$0x1EC00] =	vst v63  }
0x47: {  	_ =	swait.ge [sflag:s13], $0x4000  }
0x48: {  	s17 =	sld [smem:$0x7FD]  }
0x49: {  	[sflag:s13] =	ssyncset.done $0x0  }
0x4a: {  	[sflag:s13] =	ssyncadd.s32 $0xFFFFC000  }
0x4b: {  	[spmem:s17] =	stream.linear.scatter [tilespmem:s14], [sflag:$0x8], $0x4000, $0x38;
	[tilespmem:$0x1EC00] =	vst v63  }
0x4c: {  	_ =	swait.ge [sflag:s13], $0x4000  }
0x4d: {  	[sflag:s13] =	ssyncset.done $0x0  }
0x4e: {  	[sflag:s13] =	ssyncadd.s32 $0xFFFFC000  }
0x4f: {  	[bflag:$0x0] =	sbarrier.arrive $0xFFFF  }
0x50: {  	s18 =	rddreg [dreg:$0x11]  }
0x51: {  	[tilespmem:s3], [sflag:$0x3] =	stream.linear.gather [hbm4b:s18+s3], $0x80, $0x38;
	[tilespmem:$0x1EC00] =	vst v63  }
0x52: {  	s22 =	rddreg [dreg:$0x12]  }
0x53: {  	[tilespmem:s16], [sflag:$0x3] =	stream.linear.gather [hbm4b:s22+s3], $0x80, $0x38;
	[tilespmem:$0x1EC00] =	vst v63  }
0x54: {  	s10 =	simm.s32 $0x100;
	s6 =	rddreg [dreg:$0x13]  }
0x55: {  	[tilespmem:s10], [sflag:$0x4] =	stream.linear.gather [hbm4b:s6+s3], $0x80, $0x38;
	[tilespmem:$0x1EC00] =	vst v63  }
0x56: {  	s11 =	rddreg [dreg:$0x14]  }
0x57: {  	[tilespmem:s19], [sflag:$0x4] =	stream.linear.gather [hbm4b:s11+s3], $0x80, $0x38;
	[tilespmem:$0x1EC00] =	vst v63  }
0x58: {  	s17 =	rddreg [dreg:$0x15]  }
0x59: {  	[tilespmem:s20], [sflag:$0x5] =	stream.linear.gather [hbm4b:s17+s3], $0x80, $0x38;
	[tilespmem:$0x1EC00] =	vst v63  }
0x5a: {  	s31 =	simm.s32 $0x3;
	s18 =	rddreg [dreg:$0x16]  }
0x5b: {  	[tilespmem:s21], [sflag:$0x5] =	stream.linear.gather [hbm4b:s18+s3], $0x80, $0x38;
	[tilespmem:$0x1EC00] =	vst v63  }
0x5c: {  	_ =	swait.ge [sflag:s31], $0x80  }
0x5d: {  	[sflag:s31] =	ssyncset.done $0x0  }
0x5e: {  	[sflag:s31] =	ssyncadd.s32 $0xFFFFFF80  }
0x5f: {  	_ =	swait.ge [sflag:s31], $0x80  }
0x60: {  	[sflag:s31] =	ssyncset.done $0x0  }
0x61: {  	s22 =	simm.s32 $0x4;
	[sflag:s31] =	ssyncadd.s32 $0xFFFFFF80  }
0x62: {  	[tilespmem:s14], [sflag:$0x1] =	stream.indirect.gather [hbm4b:s1+s16], $0x80, s3, s16, $0xb8;
	[tilespmem:$0x1EC00] =	vst v63  }
0x63: {  	_ =	swait.ge [sflag:s22], $0x80  }
0x64: {  	[sflag:s22] =	ssyncset.done $0x0  }
0x65: {  	[sflag:s22] =	ssyncadd.s32 $0xFFFFFF80  }
0x66: {  	_ =	swait.ge [sflag:s22], $0x80  }
0x67: {  	[sflag:s22] =	ssyncset.done $0x0  }
0x68: {  	s0 =	rddreg [dreg:$0x1d];
	[sflag:s22] =	ssyncadd.s32 $0xFFFFFF80  }
0x69: {  	[tilespmem:s23], [sflag:$0x2] =	stream.indirect.gather [hbm4b:s1+s16], $0x80, s10, s16, $0xb8;
	[tilespmem:$0x1EC00] =	vst v63  }
0x6a: {  	s11 =	simm.s32 $0x0;
	s17 =	simm.s32 $0x0;
	s10 =	rddreg [dreg:$0x1c]  }
.LBB2_2:
0x6b: {  	_ =	swait.ge [sflag:s24], $0x4000;
	s22 =	sadd.s32 s17, s15  }
0x6c: {  	p0 =	sgt.u32 s31, $0x4D;
	[sflag:s24] =	ssyncset.done $0x0;
	s18 =	rddreg [dreg:$0x7]  }
0x6d: {  	s22 =	sadd.s32 $0x180, s22;
	[sflag:s24] =	ssyncadd.s32 $0xFFFFC000;
	s18 =	sadd.s32 s17, s18  }
0x6e: {  	[spmem:s2] =	stream.indirect.scatter.add.f32 [tilespmem:s14], [sflag:$0x7], $0x80, s16, s16, $0xb8;
	[tilespmem:$0x1EC00] =	vst v63  }
0x6f: {  	s22 =	smov.u32 @p0 s18;
	s18 =	smov.u32 s5  }
0x70: {  	s6 =	smov.u32 s9;
	s18 =	smov.u32 @p0 s7;
	s22 =	sshrl.u32 s22, $0x3  }
0x71: {  	s6 =	smov.u32 @p0 s8;
	s18 =	sadd.s32 s18, s22  }
0x72: {  	[tilespmem:s25], [sflag:$0x6] =	stream.linear.gather [hbm4b:s18+s3], $0x80, $0x38;
	[tilespmem:$0x1EC00] =	vst v63  }
0x73: {  	s6 =	sadd.s32 s6, s22  }
0x74: {  	[tilespmem:s26], [sflag:$0x6] =	stream.linear.gather [hbm4b:s6+s3], $0x80, $0x38;
	[tilespmem:$0x1EC00] =	vst v63  }
0x75: {  	v1 =	vld [tilespmem:$0x80];
	_ =	sdelay $0x7  }
0x76: {  	[tilespmem:v1+s12+$0x0] =	vst.idx.add.f32.msk $0xffff, v0  }
0x77: {  	v1 =	vld [tilespmem:$0x90];
	_ =	sdelay $0x7  }
0x78: {  	[tilespmem:v1+s12+$0x0] =	vst.idx.add.f32.msk $0xffff, v0  }
0x79: {  	v1 =	vld [tilespmem:$0xA0];
	_ =	sdelay $0x7  }
0x7a: {  	[tilespmem:v1+s12+$0x0] =	vst.idx.add.f32.msk $0xffff, v0  }
0x7b: {  	v1 =	vld [tilespmem:$0xB0];
	_ =	sdelay $0x7  }
0x7c: {  	[tilespmem:v1+s12+$0x0] =	vst.idx.add.f32.msk $0xffff, v0  }
0x7d: {  	v1 =	vld [tilespmem:$0xC0];
	_ =	sdelay $0x7  }
0x7e: {  	[tilespmem:v1+s12+$0x0] =	vst.idx.add.f32.msk $0xffff, v0  }
0x7f: {  	v1 =	vld [tilespmem:$0xD0];
	_ =	sdelay $0x7  }
0x80: {  	[tilespmem:v1+s12+$0x0] =	vst.idx.add.f32.msk $0xffff, v0  }
0x81: {  	v1 =	vld [tilespmem:$0xE0];
	_ =	sdelay $0x7  }
0x82: {  	[tilespmem:v1+s12+$0x0] =	vst.idx.add.f32.msk $0xffff, v0  }
0x83: {  	v1 =	vld [tilespmem:$0xF0];
	_ =	sdelay $0x7  }
0x84: {  	[tilespmem:v1+s12+$0x0] =	vst.idx.add.f32.msk $0xffff, v0  }
0x85: {  	_ =	swait.ge [sflag:s28], $0x4000  }
0x86: {  	[sflag:s28] =	ssyncset.done $0x0  }
0x87: {  	[sflag:s28] =	ssyncadd.s32 $0xFFFFC000  }
0x88: {  	_ =	swait.ge [sflag:s29], $0x80  }
0x89: {  	[sflag:s29] =	ssyncset.done $0x0  }
0x8a: {  	[sflag:s29] =	ssyncadd.s32 $0xFFFFFF80  }
0x8b: {  	_ =	swait.ge [sflag:s29], $0x80  }
0x8c: {  	[sflag:s29] =	ssyncset.done $0x0  }
0x8d: {  	p1 =	sgt.u32 s11, $0x12;
	[sflag:s29] =	ssyncadd.s32 $0xFFFFFF80  }
0x8e: {  	[tilespmem:s14], [sflag:$0x1] =	stream.indirect.gather [hbm4b:s1+s16], $0x80, s20, s16, $0xb8;
	[tilespmem:$0x1EC00] =	vst v63  }
0x8f: {  	s6 =	sadd.s32 @!p1 s17, s15;
	_ =	swait.ge [sflag:s30], $0x4000  }
0x90: {  	s6 =	sadd.s32 @!p1 $0x200, s6;
	[sflag:s30] =	ssyncset.done $0x0  }
0x91: {  	s6 =	sshrl.u32 @!p1 s6, $0x3;
	[sflag:s30] =	ssyncadd.s32 $0xFFFFC000  }
0x92: {  	[spmem:s2] =	stream.indirect.scatter.add.f32 [tilespmem:s23], [sflag:$0x7], $0x80, s19, s16, $0xb8;
	[tilespmem:$0x1EC00] =	vst v63  }
0x93: {  	s22 =	simm.s32 @!p1 $0x0;
	s18 =	sadd.s32 @!p1 s5, s6  }
0x94: {  	[tilespmem:s22], [sflag:$0x3] =	stream.linear.gather @!p1 [hbm4b:s18+s22], $0x80, $0x38;
	[tilespmem:$0x1EC00] =	vst v63  }
0x95: {  	s6 =	sadd.s32 @!p1 s9, s6;
	s18 =	simm.s32 @!p1 $0x80  }
0x96: {  	[tilespmem:s18], [sflag:$0x3] =	stream.linear.gather @!p1 [hbm4b:s6+s22], $0x80, $0x38;
	[tilespmem:$0x1EC00] =	vst v63  }
0x97: {  	v1 =	vld [tilespmem:$0x180];
	_ =	sdelay $0x7  }
0x98: {  	[tilespmem:v1+s12+$0x0] =	vst.idx.add.f32.msk $0xffff, v0  }
0x99: {  	v1 =	vld [tilespmem:$0x190];
	_ =	sdelay $0x7  }
0x9a: {  	[tilespmem:v1+s12+$0x0] =	vst.idx.add.f32.msk $0xffff, v0  }
0x9b: {  	v1 =	vld [tilespmem:$0x1A0];
	_ =	sdelay $0x7  }
0x9c: {  	[tilespmem:v1+s12+$0x0] =	vst.idx.add.f32.msk $0xffff, v0  }
0x9d: {  	v1 =	vld [tilespmem:$0x1B0];
	_ =	sdelay $0x7  }
0x9e: {  	[tilespmem:v1+s12+$0x0] =	vst.idx.add.f32.msk $0xffff, v0  }
0x9f: {  	v1 =	vld [tilespmem:$0x1C0];
	_ =	sdelay $0x7  }
0xa0: {  	[tilespmem:v1+s12+$0x0] =	vst.idx.add.f32.msk $0xffff, v0  }
0xa1: {  	v1 =	vld [tilespmem:$0x1D0];
	_ =	sdelay $0x7  }
0xa2: {  	[tilespmem:v1+s12+$0x0] =	vst.idx.add.f32.msk $0xffff, v0  }
0xa3: {  	v1 =	vld [tilespmem:$0x1E0];
	_ =	sdelay $0x7  }
0xa4: {  	[tilespmem:v1+s12+$0x0] =	vst.idx.add.f32.msk $0xffff, v0  }
0xa5: {  	v1 =	vld [tilespmem:$0x1F0];
	_ =	sdelay $0x7  }
0xa6: {  	[tilespmem:v1+s12+$0x0] =	vst.idx.add.f32.msk $0xffff, v0  }
0xa7: {  	_ =	swait.ge [sflag:s28], $0x4000  }
0xa8: {  	[sflag:s28] =	ssyncset.done $0x0  }
0xa9: {  	[sflag:s28] =	ssyncadd.s32 $0xFFFFC000  }
0xaa: {  	_ =	swait.ge [sflag:s4], $0x80  }
0xab: {  	[sflag:s4] =	ssyncset.done $0x0  }
0xac: {  	[sflag:s4] =	ssyncadd.s32 $0xFFFFFF80  }
0xad: {  	_ =	swait.ge [sflag:s4], $0x80  }
0xae: {  	[sflag:s4] =	ssyncset.done $0x0  }
0xaf: {  	[sflag:s4] =	ssyncadd.s32 $0xFFFFFF80  }
0xb0: {  	[tilespmem:s23], [sflag:$0x2] =	stream.indirect.gather [hbm4b:s1+s16], $0x80, s25, s16, $0xb8;
	[tilespmem:$0x1EC00] =	vst v63  }
0xb1: {  	_ =	swait.ge [sflag:s24], $0x4000  }
0xb2: {  	s19 =	sadd.s32 $0xFFFFFFFF, s31;
	[sflag:s24] =	ssyncset.done $0x0  }
0xb3: {  	p1 =	sgt.u32 s19, $0x4C;
	[sflag:s24] =	ssyncadd.s32 $0xFFFFC000  }
0xb4: {  	[spmem:s2] =	stream.indirect.scatter.add.f32 [tilespmem:s14], [sflag:$0x7], $0x80, s21, s16, $0xb8;
	[tilespmem:$0x1EC00] =	vst v63  }
0xb5: {  	s18 =	simm.s32 @!p1 $0x0;
	s22 =	simm.s32 @!p1 $0x100  }
0xb6: {  	[tilespmem:s22], [sflag:$0x4] =	stream.linear.gather @!p1 [hbm4b:s0+s18], $0x80, $0x38;
	[tilespmem:$0x1EC00] =	vst v63  }
0xb7: {  	s22 =	simm.s32 @!p1 $0x180  }
0xb8: {  	[tilespmem:s22], [sflag:$0x4] =	stream.linear.gather @!p1 [hbm4b:s10+s18], $0x80, $0x38;
	[tilespmem:$0x1EC00] =	vst v63  }
0xb9: {  	v1 =	vld [tilespmem:$0x280];
	_ =	sdelay $0x7  }
0xba: {  	[tilespmem:v1+s12+$0x0] =	vst.idx.add.f32.msk $0xffff, v0  }
0xbb: {  	v1 =	vld [tilespmem:$0x290];
	_ =	sdelay $0x7  }
0xbc: {  	[tilespmem:v1+s12+$0x0] =	vst.idx.add.f32.msk $0xffff, v0  }
0xbd: {  	v1 =	vld [tilespmem:$0x2A0];
	_ =	sdelay $0x7  }
0xbe: {  	[tilespmem:v1+s12+$0x0] =	vst.idx.add.f32.msk $0xffff, v0  }
0xbf: {  	v1 =	vld [tilespmem:$0x2B0];
	_ =	sdelay $0x7  }
0xc0: {  	[tilespmem:v1+s12+$0x0] =	vst.idx.add.f32.msk $0xffff, v0  }
0xc1: {  	v1 =	vld [tilespmem:$0x2C0];
	_ =	sdelay $0x7  }
0xc2: {  	[tilespmem:v1+s12+$0x0] =	vst.idx.add.f32.msk $0xffff, v0  }
0xc3: {  	v1 =	vld [tilespmem:$0x2D0];
	_ =	sdelay $0x7  }
0xc4: {  	[tilespmem:v1+s12+$0x0] =	vst.idx.add.f32.msk $0xffff, v0  }
0xc5: {  	v1 =	vld [tilespmem:$0x2E0];
	_ =	sdelay $0x7  }
0xc6: {  	[tilespmem:v1+s12+$0x0] =	vst.idx.add.f32.msk $0xffff, v0  }
0xc7: {  	v1 =	vld [tilespmem:$0x2F0];
	_ =	sdelay $0x7  }
0xc8: {  	[tilespmem:v1+s12+$0x0] =	vst.idx.add.f32.msk $0xffff, v0  }
0xc9: {  	_ =	swait.ge [sflag:s28], $0x4000  }
0xca: {  	p1 =	sgt.u32 s19, $0x4D;
	[sflag:s28] =	ssyncset.done $0x0  }
0xcb: {  	s6 =	simm.s32 @!p1 $0x3;
	[sflag:s28] =	ssyncadd.s32 $0xFFFFC000  }
0xcc: {  	_ =	swait.ge @!p1 [sflag:s6], $0x80  }
0xcd: {  	[sflag:s6] =	ssyncset.done @!p1 $0x0  }
0xce: {  	[sflag:s6] =	ssyncadd.s32 @!p1 $0xFFFFFF80  }
0xcf: {  	_ =	swait.ge @!p1 [sflag:s6], $0x80  }
0xd0: {  	s18 =	simm.s32 @!p1 $0x0;
	[sflag:s6] =	ssyncset.done @!p1 $0x0  }
0xd1: {  	s22 =	simm.s32 @!p1 $0x400;
	[sflag:s6] =	ssyncadd.s32 @!p1 $0xFFFFFF80;
	s6 =	simm.s32 @!p1 $0x80  }
0xd2: {  	[tilespmem:s22], [sflag:$0x1] =	stream.indirect.gather @!p1 [hbm4b:s1+s6], $0x80, s18, s6, $0xb8;
	[tilespmem:$0x1EC00] =	vst v63  }
0xd3: {  	p1 =	sgt.u32 s31, $0x4C;
	_ =	swait.ge [sflag:s30], $0x4000  }
0xd4: {  	p2 =	slt.u32 @!p1 s11, $0x12;
	s6 =	rddreg [dreg:$0x5]  }
0xd5: {  	[sflag:s30] =	ssyncset.done $0x0;
	s18 =	rddreg [dreg:$0x6];
	p2 =	por !p2, p1  }
0xd6: {  	[sflag:s30] =	ssyncadd.s32 $0xFFFFC000;
	s18 =	smov.u32 @p2 s6  }
0xd7: {  	[spmem:s2] =	stream.indirect.scatter.add.f32 [tilespmem:s23], [sflag:$0x7], $0x80, s26, s16, $0xb8;
	[tilespmem:$0x1EC00] =	vst v63  }
0xd8: {  	s6 =	smov.u32 s5;
	s18 =	sadd.s32 @!p1 s17, s18  }
0xd9: {  	s6 =	smov.u32 @p2 s7;
	s18 =	sshrl.u32 @!p1 s18, $0x3  }
0xda: {  	s22 =	simm.s32 @!p1 $0x0;
	s19 =	simm.s32 @!p1 $0x200;
	s6 =	sadd.s32 @!p1 s6, s18  }
0xdb: {  	[tilespmem:s19], [sflag:$0x5] =	stream.linear.gather @!p1 [hbm4b:s6+s22], $0x80, $0x38;
	[tilespmem:$0x1EC00] =	vst v63  }
0xdc: {  	s6 =	smov.u32 s9  }
0xdd: {  	s6 =	smov.u32 @p2 s8  }
0xde: {  	s6 =	sadd.s32 @!p1 s6, s18;
	s18 =	simm.s32 @!p1 $0x280  }
0xdf: {  	[tilespmem:s18], [sflag:$0x5] =	stream.linear.gather @!p1 [hbm4b:s6+s22], $0x80, $0x38;
	[tilespmem:$0x1EC00] =	vst v63  }
0xe0: {  	v1 =	vld [tilespmem:$0x380];
	_ =	sdelay $0x7  }
0xe1: {  	[tilespmem:v1+s12+$0x0] =	vst.idx.add.f32.msk $0xffff, v0  }
0xe2: {  	v1 =	vld [tilespmem:$0x390];
	_ =	sdelay $0x7  }
0xe3: {  	[tilespmem:v1+s12+$0x0] =	vst.idx.add.f32.msk $0xffff, v0  }
0xe4: {  	v1 =	vld [tilespmem:$0x3A0];
	_ =	sdelay $0x7  }
0xe5: {  	[tilespmem:v1+s12+$0x0] =	vst.idx.add.f32.msk $0xffff, v0  }
0xe6: {  	v1 =	vld [tilespmem:$0x3B0];
	_ =	sdelay $0x7  }
0xe7: {  	[tilespmem:v1+s12+$0x0] =	vst.idx.add.f32.msk $0xffff, v0  }
0xe8: {  	v1 =	vld [tilespmem:$0x3C0];
	_ =	sdelay $0x7  }
0xe9: {  	[tilespmem:v1+s12+$0x0] =	vst.idx.add.f32.msk $0xffff, v0  }
0xea: {  	v1 =	vld [tilespmem:$0x3D0];
	_ =	sdelay $0x7  }
0xeb: {  	[tilespmem:v1+s12+$0x0] =	vst.idx.add.f32.msk $0xffff, v0  }
0xec: {  	v1 =	vld [tilespmem:$0x3E0];
	_ =	sdelay $0x7  }
0xed: {  	[tilespmem:v1+s12+$0x0] =	vst.idx.add.f32.msk $0xffff, v0  }
0xee: {  	v1 =	vld [tilespmem:$0x3F0];
	_ =	sdelay $0x7  }
0xef: {  	[tilespmem:v1+s12+$0x0] =	vst.idx.add.f32.msk $0xffff, v0  }
0xf0: {  	_ =	swait.ge [sflag:s28], $0x4000  }
0xf1: {  	[sflag:s28] =	ssyncset.done $0x0  }
0xf2: {  	s6 =	simm.s32 @!p0 $0x4;
	[sflag:s28] =	ssyncadd.s32 $0xFFFFC000  }
0xf3: {  	_ =	swait.ge @!p0 [sflag:s6], $0x80  }
0xf4: {  	[sflag:s6] =	ssyncset.done @!p0 $0x0  }
0xf5: {  	[sflag:s6] =	ssyncadd.s32 @!p0 $0xFFFFFF80  }
0xf6: {  	_ =	swait.ge @!p0 [sflag:s6], $0x80  }
0xf7: {  	s17 =	sadd.s32 $0x200, s17;
	s19 =	simm.s32 @!p0 $0x4400;
	[sflag:s6] =	ssyncset.done @!p0 $0x0  }
0xf8: {  	s18 =	simm.s32 @!p0 $0x100;
	[sflag:s6] =	ssyncadd.s32 @!p0 $0xFFFFFF80;
	s6 =	simm.s32 @!p0 $0x80  }
0xf9: {  	[tilespmem:s19], [sflag:$0x2] =	stream.indirect.gather @!p0 [hbm4b:s1+s6], $0x80, s18, s6, $0xb8;
	[tilespmem:$0x1EC00] =	vst v63  }
0xfa: {  	p0 =	sne.s32 s17, $0x2800  }
.Ltmp0:
0xfb: {  	_ = 	snop;
	(pc) =	sbr.rel @p0 .LBB2_2-.Ltmp0, $3  }
0xfc: {  	_ =	sdelay $0x1  }
0xfd: {  	s0 =	sadd.s32 $0x40, s0;
	s10 =	sadd.s32 $0x40, s10  }
0xfe: {  	s31 =	sadd.s32 $0x4, s31;
	s11 =	sadd.s32 $0x1, s11;
	s19 =	simm.s32 $0x180  }
0xff: {  	[bflag:$0x0] =	sbarrier.arrive $0xFFFF  }
0x100: {  	s18 =	rddreg [dreg:$0x10]  }
0x101: {  	[tilespmem:s14], [sflag:$0x8] =	stream.linear.gather [spmem:s18], $0x4000, $0x38;
	[tilespmem:$0x1EC00] =	vst v63  }
0x102: {  	_ =	swait.ge [sflag:s13], $0x4000  }
0x103: {  	[sflag:s13] =	ssyncset.done $0x0  }
0x104: {  	s0 =	rddreg [dreg:$0x9];
	[sflag:s13] =	ssyncadd.s32 $0xFFFFC000  }
0x105: {  	[hbm4b:s0+s3] =	stream.linear.scatter [tilespmem:s14], [sflag:$0x8], $0x4000, $0x38;
	[tilespmem:$0x1EC00] =	vst v63  }
0x106: {  	_ =	swait.ge [sflag:s13], $0x4000  }
0x107: {  	[sflag:s13] =	ssyncset.done $0x0  }
0x108: {  	s11 =	rddreg [dreg:$0x18];
	[sflag:s13] =	ssyncadd.s32 $0xFFFFC000  }
0x109: {  	[tilespmem:s14], [sflag:$0x8] =	stream.linear.gather [spmem:s11], $0x4000, $0x38;
	[tilespmem:$0x1EC00] =	vst v63  }
0x10a: {  	_ =	swait.ge [sflag:s13], $0x4000  }
0x10b: {  	[sflag:s13] =	ssyncset.done $0x0  }
0x10c: {  	s17 =	rddreg [dreg:$0xa];
	[sflag:s13] =	ssyncadd.s32 $0xFFFFC000  }
0x10d: {  	[hbm4b:s17+s3] =	stream.linear.scatter [tilespmem:s14], [sflag:$0x8], $0x4000, $0x38;
	[tilespmem:$0x1EC00] =	vst v63  }
0x10e: {  	_ =	swait.ge [sflag:s13], $0x4000  }
0x10f: {  	[sflag:s13] =	ssyncset.done $0x0  }
0x110: {  	s22 =	rddreg [dreg:$0x19];
	[sflag:s13] =	ssyncadd.s32 $0xFFFFC000  }
0x111: {  	[tilespmem:s14], [sflag:$0x8] =	stream.linear.gather [spmem:s22], $0x4000, $0x38;
	[tilespmem:$0x1EC00] =	vst v63  }
0x112: {  	_ =	swait.ge [sflag:s13], $0x4000  }
0x113: {  	[sflag:s13] =	ssyncset.done $0x0  }
0x114: {  	s31 =	rddreg [dreg:$0xb];
	[sflag:s13] =	ssyncadd.s32 $0xFFFFC000  }
0x115: {  	[hbm4b:s31+s3] =	stream.linear.scatter [tilespmem:s14], [sflag:$0x8], $0x4000, $0x38;
	[tilespmem:$0x1EC00] =	vst v63  }
0x116: {  	_ =	swait.ge [sflag:s13], $0x4000  }
0x117: {  	[sflag:s13] =	ssyncset.done $0x0  }
0x118: {  	s6 =	rddreg [dreg:$0x1a];
	[sflag:s13] =	ssyncadd.s32 $0xFFFFC000  }
0x119: {  	[tilespmem:s14], [sflag:$0x8] =	stream.linear.gather [spmem:s6], $0x4000, $0x38;
	[tilespmem:$0x1EC00] =	vst v63  }
0x11a: {  	_ =	swait.ge [sflag:s13], $0x4000  }
0x11b: {  	[sflag:s13] =	ssyncset.done $0x0  }
0x11c: {  	s10 =	rddreg [dreg:$0xc];
	[sflag:s13] =	ssyncadd.s32 $0xFFFFC000  }
0x11d: {  	[hbm4b:s10+s3] =	stream.linear.scatter [tilespmem:s14], [sflag:$0x8], $0x4000, $0x38;
	[tilespmem:$0x1EC00] =	vst v63  }
0x11e: {  	_ =	swait.ge [sflag:s13], $0x4000  }
0x11f: {  	[sflag:s13] =	ssyncset.done $0x0  }
0x120: {  	s11 =	rddreg [dreg:$0x1b];
	[sflag:s13] =	ssyncadd.s32 $0xFFFFC000  }
0x121: {  	[tilespmem:s14], [sflag:$0x8] =	stream.linear.gather [spmem:s11], $0x4000, $0x38;
	[tilespmem:$0x1EC00] =	vst v63  }
0x122: {  	_ =	swait.ge [sflag:s13], $0x4000  }
0x123: {  	[sflag:s13] =	ssyncset.done $0x0  }
0x124: {  	s17 =	rddreg [dreg:$0xd];
	[sflag:s13] =	ssyncadd.s32 $0xFFFFC000  }
0x125: {  	[hbm4b:s17+s3] =	stream.linear.scatter [tilespmem:s14], [sflag:$0x8], $0x4000, $0x38;
	[tilespmem:$0x1EC00] =	vst v63  }
0x126: {  	_ =	swait.ge [sflag:s13], $0x4000  }
0x127: {  	[sflag:s13] =	ssyncset.done $0x0  }
0x128: {  	s22 =	rddreg [dreg:$0x8];
	[sflag:s13] =	ssyncadd.s32 $0xFFFFC000  }
0x129: {  	[hbm4b:s22+s3] =	stream.linear.scatter [tilespmem:s12], [sflag:$0x8], $0x2800, $0x38;
	[tilespmem:$0x1EC00] =	vst v63  }
0x12a: {  	_ =	swait.ge [sflag:s13], $0x2800  }
0x12b: {  	s6 =	sld [smem:$0x7FB];
	_ =	sdelay $0x2  }
0x12c: {  	s31 =	rddreg [dreg:$0x17];
	s6 =	sadd.s32 $0x1, s6  }
0x12d: {  	p0 =	sne.s32 s6, s31  }
.Ltmp1:
0x12e: {  	_ = 	snop;
	(pc) =	sbr.rel @p0 .LBB2_1-.Ltmp1, $3  }
0x12f: {  	_ =	sdelay $0x1  }
0x130: {  	[sflag:s13] =	ssyncset.done $0x0  }
0x131: {  	[sflag:s13] =	ssyncadd.s32 $0xFFFFD800  }
0x132: {  	_ =	sfence.sel $0x180000  }
0x133: {  	[bflag:$0x0] =	sbarrier.arrive $0xFFFF  }
0x134: {  	_ =	strace $0x90000047  }
0x135: {  	s0 =	stileid.u32;
	[bflag:$0x2] =	sbarrier.arrive $0xFFFF  }
0x136: {  	p0 =	sne.s32 s0, $0x0;
	s0 =	rddreg [dreg:$0x4]  }
0x137: {  	s0 =	sadd.s32 @!p0 $0x100000, s0  }
0x138: {  	[sflag:s0] =	ssyncadd.tile.s32 @!p0 $0x1;
	_ =	shalt  }
.Lfunc_end2:
_tile_overlayer_lowered:
.L_overlay_start_2:
0x139: {  	(tag) =	ssettag $0x2  }
0x13a: {  	s0 =	rddreg [dreg:$0x0];
	s2 =	stileid.u32  }
0x13b: {  	s1 =	rddreg [dreg:$0x1];
	p0 =	sne.s32 s2, $0x0  }
0x13c: {  	s3 =	rddreg [dreg:$0x2];
	[bflag:$0x3] =	sbarrier.arrive $0xFFFF;
	s2 =	simm.s32 @!p0 $0x1C08  }
0x13d: {  	[timem:s3], [sflag:s2] =	dma.local @!p0 [hbm:s0], s1  }
0x13e: {  	s0 =	simm.s32 @!p0 $0x8  }
0x13f: {  	_ =	swait.ge @!p0 [sflag:s0], s1  }
0x140: {  	s1 =	ssub.s32 @!p0 $0x0, s1;
	[sflag:s0] =	ssyncset.done @!p0 $0x0  }
0x141: {  	[sflag:s0] =	ssyncadd.s32 @!p0 s1  }
0x142: {  	[bflag:$0x3] =	sbarrier.arrive $0xFFFF  }
0x143: {  	_ =	shalt  }

</sc_bundles>
